<compile_context>
chip_gen: v7x
topology: tpu7x:2x2x1
jax: 0.10.2.dev20260603
libtpu: 0.0.44.dev20260713+nightly
codegen_flags: <defaults>
</compile_context>

<pallas_src>
import functools

import jax
import jax.numpy as jnp
from jax import lax
from jax.experimental import pallas as pl
from jax.experimental.pallas import tpu as pltpu
from jax.experimental.pallas import tpu_sc as plsc

V = 10000
K = 32
C = 128

NC = 2
NS = 16
NW = NC * NS

VP = 10240
RPW = VP // NW
RCHUNK = 4
NCHUNK = RPW // RCHUNK
NPAIR = NCHUNK // 2
WCOL = VP // 2

BM = 256


def _tc_body(xb_ref, xt_ref, gram_ref, n2_ref):
    xb = xb_ref[...]
    prod = lax.dot_general(
        xb.astype(jnp.bfloat16), xt_ref[...],
        dimension_numbers=(((1,), (1,)), ((), ())),
        preferred_element_type=jnp.float32)
    u = lax.bitcast_convert_type(prod, jnp.int32) + 32768
    lo = lax.shift_right_logical(u[:, :WCOL], 16)
    hi = lax.bitwise_and(u[:, WCOL:], -65536)
    gram_ref[...] = lax.bitwise_or(lo, hi)
    n2_ref[0, 0, :] = jnp.sum(xb * xb, axis=1)


def _make_tc_kernel():
    return pl.pallas_call(
        _tc_body,
        grid=(VP // BM,),
        in_specs=[
            pl.BlockSpec((BM, C), lambda i: (i, 0)),
            pl.BlockSpec((VP, C), lambda i: (0, 0)),
        ],
        out_specs=[
            pl.BlockSpec((BM, WCOL), lambda i: (i, 0)),
            pl.BlockSpec((1, 1, BM), lambda i: (i, 0, 0)),
        ],
        out_shape=[
            jax.ShapeDtypeStruct((VP, WCOL), jnp.int32),
            jax.ShapeDtypeStruct((VP // BM, 1, BM), jnp.float32),
        ],
    )


def _sc_body(gramw_hbm, n2_hbm, widx_hbm, nidx_hbm, dist_hbm,
             widx_v, idx_v, n2_v, g0, g1, out_v, sem0, sem1):
    cid = lax.axis_index("c")
    sid = lax.axis_index("s")
    wid = sid * NC + cid
    row0 = wid * RPW

    pltpu.sync_copy(widx_hbm.at[pl.ds(wid * NCHUNK, NCHUNK)], widx_v)
    pltpu.sync_copy(nidx_hbm.at[pl.ds(wid * NCHUNK, NCHUNK)], idx_v)
    pltpu.sync_copy(n2_hbm, n2_v)

    lanes = lax.iota(jnp.int32, 16)
    ones16 = jnp.full((16,), 1, jnp.int32)
    fifteen16 = jnp.full((16,), 15, jnp.int32)
    hmask = jnp.full((16,), -65536, jnp.int32)

    def start(chunk, gbuf, sem):
        pltpu.async_copy(gramw_hbm.at[widx_v.at[chunk]], gbuf, sem)

    def wait(chunk, gbuf, sem):
        pltpu.make_async_copy(
            gramw_hbm.at[widx_v.at[chunk]], gbuf, sem).wait()

    def compute(chunk, gbuf):
        for r in range(RCHUNK):
            row = chunk * RCHUNK + r
            n2v = plsc.load_gather(n2_v, [jnp.full((16,), row0 + row,
                                                   jnp.int32)])
            for half in range(2):
                off = r * K + half * 16
                n16 = idx_v[chunk, pl.ds(off, 16)]
                sel = n16 >= jnp.full((16,), WCOL, jnp.int32)
                nmod = n16 - jnp.where(sel, WCOL, 0)
                wsel = lax.bitwise_and(nmod, fifteen16)
                w16 = plsc.load_gather(gbuf, [off + lanes, wsel])
                lo = lax.bitcast_convert_type(
                    lax.shift_left(w16, 16), jnp.float32)
                hi = lax.bitcast_convert_type(
                    lax.bitwise_and(w16, hmask), jnp.float32)
                gramf = jnp.where(sel, hi, lo)
                n2n = plsc.load_gather(n2_v, [n16])
                dist = (n2v + n2n) - (gramf + gramf)
                out_v[row, pl.ds(half * 16, 16)] = dist

    start(0, g0, sem0)

    def pair(t, carry):
        c0 = 2 * t
        start(c0 + 1, g1, sem1)
        wait(c0, g0, sem0)
        compute(c0, g0)

        @pl.when(t < NPAIR - 1)
        def _():
            start(c0 + 2, g0, sem0)

        wait(c0 + 1, g1, sem1)
        compute(c0 + 1, g1)
        return carry

    lax.fori_loop(0, NPAIR, pair, 0)

    pltpu.sync_copy(out_v, dist_hbm.at[pl.ds(row0, RPW)])


def _make_sc_kernel():
    return pl.kernel(
        _sc_body,
        out_type=jax.ShapeDtypeStruct((VP, K), jnp.float32),
        mesh=plsc.VectorSubcoreMesh(core_axis_name="c", subcore_axis_name="s",
                                    num_cores=NC, num_subcores=NS),
        compiler_params=pltpu.CompilerParams(needs_layout_passes=False,
                                             use_tc_tiling_on_sc=False),
        scratch_types=[
            pltpu.VMEM((NCHUNK, 128), jnp.int32),
            pltpu.VMEM((NCHUNK, 128), jnp.int32),
            pltpu.VMEM((VP,), jnp.float32),
            pltpu.VMEM((RCHUNK * K, 16), jnp.int32),
            pltpu.VMEM((RCHUNK * K, 16), jnp.int32),
            pltpu.VMEM((RPW, K), jnp.float32),
            pltpu.SemaphoreType.DMA,
            pltpu.SemaphoreType.DMA,
        ],
    )


@jax.jit
def kernel(coords, nidx):
    coords_p = jnp.pad(coords, ((0, VP - V), (0, 0)))
    gram, n2b = _make_tc_kernel()(
        coords_p, coords_p.astype(jnp.bfloat16))
    gram_words = gram.reshape(VP * WCOL // 16, 16)
    n2 = n2b.reshape(VP)

    nidx_i = jnp.pad(nidx.astype(jnp.int32).reshape(-1), (0, (VP - V) * K))
    vrow = jnp.repeat(jnp.arange(VP, dtype=jnp.int32), K)
    nmod = jnp.where(nidx_i >= WCOL, nidx_i - WCOL, nidx_i)
    widx = lax.shift_right_logical(vrow * WCOL + nmod, 4)
    widx_blocks = widx.reshape(NW * NCHUNK, 128)
    nidx_blocks = nidx_i.reshape(NW * NCHUNK, 128)

    dist = _make_sc_kernel()(gram_words, n2, widx_blocks, nidx_blocks)
    return dist[:V]

# --- scband reference (transcript-rebuilt; emitter-appended) ---
"""Pipeline reference for scband-recalc-distances-36094905155934 (READ-ONLY COPY).

The authoritative reference and input builder live on the scoring server;
editing this copy changes nothing except your own understanding.
"""

import jax, jax.numpy as jnp
import numpy as np

V = 10000
K = 32
C = 128


def setup_inputs(seed: int = 0) -> dict:
    key = jax.random.key(seed)
    k1, k2 = jax.random.split(key)
    coords = jax.random.normal(k1, (V, C), dtype=jnp.float32)
    nidx = jax.random.randint(k2, (V, K), 0, V, dtype=jnp.int64)
    return {"coords": coords, "nidx": nidx}


def _select_with_default(nidx, tensor, default):
    # Faithful port of SelectWithDefault: gather rows of `tensor` at `nidx`,
    # with entries where nidx < 0 replaced by `default`.
    mask = nidx < 0  # [V, K]
    safe_idx = jnp.where(mask, 0, nidx)
    gathered = jnp.take(tensor, safe_idx, axis=0)  # [V, K, C]
    return jnp.where(mask[..., None], jnp.asarray(default, tensor.dtype), gathered)


def reference(coords, nidx):
    # RecalcDistances.call: expands in V x K x C
    ncoords = _select_with_default(nidx, coords, 0.0)  # [V, K, C]
    dist = jnp.sum((ncoords - jnp.expand_dims(coords, axis=1)) ** 2, axis=2)  # [V, K]
    return dist

if __name__ == "__main__":
    import jax
    _d = setup_inputs()
    print(jax.jit(kernel)(*tuple(_d.values())))

</pallas_src>

<mosaic_0001>
#map = affine_map<(d0, d1) -> (0, 0)>
#map1 = affine_map<(d0, d1) -> (0)>
module attributes {stable_mosaic.version = 14 : i64} {
  func.func @_sc_body(%arg0: i32, %arg1: i32, %arg2: memref<3276800x16xi32, #tpu.memory_space<hbm>>, %arg3: memref<10240xf32, #tpu.memory_space<hbm>>, %arg4: memref<2560x128xi32, #tpu.memory_space<hbm>>, %arg5: memref<2560x128xi32, #tpu.memory_space<hbm>>, %arg6: memref<10240x32xf32, #tpu.memory_space<hbm>>, %arg7: memref<80x128xi32, #tpu.memory_space<vmem>>, %arg8: memref<80x128xi32, #tpu.memory_space<vmem>>, %arg9: memref<10240xf32, #tpu.memory_space<vmem>>, %arg10: memref<128x16xi32, #tpu.memory_space<vmem>>, %arg11: memref<128x16xi32, #tpu.memory_space<vmem>>, %arg12: memref<320x32xf32, #tpu.memory_space<vmem>>, %arg13: memref<!tpu.dma_semaphore, #tpu.memory_space<semaphore_mem>>, %arg14: memref<!tpu.dma_semaphore, #tpu.memory_space<semaphore_mem>>) attributes {dimension_semantics = [#tpu.dimension_semantics<core_parallel>, #tpu.dimension_semantics<subcore_parallel>], iteration_bounds = array<i64: 2, 16>, scalar_prefetch = 0 : i64, scratch_operands = 8 : i64, tpu.core_type = #tpu.core_type<sc_vector_subcore>, window_params = [{transform_indices = #map}, {transform_indices = #map1}, {transform_indices = #map}, {transform_indices = #map}, {transform_indices = #map}]} {
    %mul3A = arith.constant 2 : i32
    %mul3A_0 = arith.muli %arg1, %mul3A : i32
    %add3A = arith.addi %mul3A_0, %arg0 : i32
    %mul3A_1 = arith.constant 320 : i32
    %mul3A_2 = arith.muli %add3A, %mul3A_1 : i32
    %mul3A_3 = arith.constant 80 : i32
    %mul3A_4 = arith.muli %add3A, %mul3A_3 : i32
    "tpu.region"() ({
      %run_scoped3A = tpu.sem_alloc : memref<!tpu.dma_semaphore, #tpu.memory_space<semaphore_mem>>
      %dma_start3A_23 = arith.constant 0 : i32
      %dma_start3A_24 = tpu.memref_slice %arg4[%mul3A_4, %dma_start3A_23] : memref<2560x128xi32, #tpu.memory_space<hbm>> -> memref<80x128xi32, #tpu.memory_space<hbm>>
      %dma_start3A_25 = arith.constant 0 : i32
      %dma_start3A_26 = tpu.memref_slice %arg4[%mul3A_4, %dma_start3A_25] : memref<2560x128xi32, #tpu.memory_space<hbm>> -> memref<80x128xi32, #tpu.memory_space<hbm>>
      tpu.enqueue_dma source(%dma_start3A_26 : memref<80x128xi32, #tpu.memory_space<hbm>>) target(%arg7 : memref<80x128xi32, #tpu.memory_space<vmem>>) target_semaphore(%run_scoped3A : memref<!tpu.dma_semaphore, #tpu.memory_space<semaphore_mem>>)
      %dma_wait3A = arith.constant 0 : i32
      %dma_wait3A_27 = tpu.memref_slice %arg4[%mul3A_4, %dma_wait3A] : memref<2560x128xi32, #tpu.memory_space<hbm>> -> memref<80x128xi32, #tpu.memory_space<hbm>>
      %dma_wait3A_28 = arith.constant 0 : i32
      %dma_wait3A_29 = tpu.memref_slice %arg4[%mul3A_4, %dma_wait3A_28] : memref<2560x128xi32, #tpu.memory_space<hbm>> -> memref<80x128xi32, #tpu.memory_space<hbm>>
      tpu.wait_dma2 semaphore(%run_scoped3A : memref<!tpu.dma_semaphore, #tpu.memory_space<semaphore_mem>>) src(%dma_wait3A_29 : memref<80x128xi32, #tpu.memory_space<hbm>>) dst(%arg7 : memref<80x128xi32, #tpu.memory_space<vmem>>)
      tpu.yield
    }) : () -> ()
    %mul3A_5 = arith.constant 80 : i32
    %mul3A_6 = arith.muli %add3A, %mul3A_5 : i32
    "tpu.region"() ({
      %run_scoped3A = tpu.sem_alloc : memref<!tpu.dma_semaphore, #tpu.memory_space<semaphore_mem>>
      %dma_start3A_23 = arith.constant 0 : i32
      %dma_start3A_24 = tpu.memref_slice %arg5[%mul3A_6, %dma_start3A_23] : memref<2560x128xi32, #tpu.memory_space<hbm>> -> memref<80x128xi32, #tpu.memory_space<hbm>>
      %dma_start3A_25 = arith.constant 0 : i32
      %dma_start3A_26 = tpu.memref_slice %arg5[%mul3A_6, %dma_start3A_25] : memref<2560x128xi32, #tpu.memory_space<hbm>> -> memref<80x128xi32, #tpu.memory_space<hbm>>
      tpu.enqueue_dma source(%dma_start3A_26 : memref<80x128xi32, #tpu.memory_space<hbm>>) target(%arg8 : memref<80x128xi32, #tpu.memory_space<vmem>>) target_semaphore(%run_scoped3A : memref<!tpu.dma_semaphore, #tpu.memory_space<semaphore_mem>>)
      %dma_wait3A = arith.constant 0 : i32
      %dma_wait3A_27 = tpu.memref_slice %arg5[%mul3A_6, %dma_wait3A] : memref<2560x128xi32, #tpu.memory_space<hbm>> -> memref<80x128xi32, #tpu.memory_space<hbm>>
      %dma_wait3A_28 = arith.constant 0 : i32
      %dma_wait3A_29 = tpu.memref_slice %arg5[%mul3A_6, %dma_wait3A_28] : memref<2560x128xi32, #tpu.memory_space<hbm>> -> memref<80x128xi32, #tpu.memory_space<hbm>>
      tpu.wait_dma2 semaphore(%run_scoped3A : memref<!tpu.dma_semaphore, #tpu.memory_space<semaphore_mem>>) src(%dma_wait3A_29 : memref<80x128xi32, #tpu.memory_space<hbm>>) dst(%arg8 : memref<80x128xi32, #tpu.memory_space<vmem>>)
      tpu.yield
    }) : () -> ()
    "tpu.region"() ({
      %run_scoped3A = tpu.sem_alloc : memref<!tpu.dma_semaphore, #tpu.memory_space<semaphore_mem>>
      tpu.enqueue_dma source(%arg3 : memref<10240xf32, #tpu.memory_space<hbm>>) target(%arg9 : memref<10240xf32, #tpu.memory_space<vmem>>) target_semaphore(%run_scoped3A : memref<!tpu.dma_semaphore, #tpu.memory_space<semaphore_mem>>)
      tpu.wait_dma2 semaphore(%run_scoped3A : memref<!tpu.dma_semaphore, #tpu.memory_space<semaphore_mem>>) src(%arg3 : memref<10240xf32, #tpu.memory_space<hbm>>) dst(%arg9 : memref<10240xf32, #tpu.memory_space<vmem>>)
      tpu.yield
    }) : () -> ()
    %iota3A = tpu.iota {dimensions = array<i32: 0>} : vector<16xi32>
    %broadcast_in_dim3A = arith.constant 1 : i32
    %broadcast_in_dim3A_7 = vector.broadcast %broadcast_in_dim3A : i32 to vector<16xi32>
    %broadcast_in_dim3A_8 = arith.constant 15 : i32
    %broadcast_in_dim3A_9 = vector.broadcast %broadcast_in_dim3A_8 : i32 to vector<16xi32>
    %broadcast_in_dim3A_10 = arith.constant -65536 : i32
    %broadcast_in_dim3A_11 = vector.broadcast %broadcast_in_dim3A_10 : i32 to vector<16xi32>
    %dma_start3A = arith.constant 0 : i32
    %dma_start3A_12 = arith.constant 0 : i32
    %dma_start3A_13 = tpu.memref_slice %arg7[%dma_start3A, %dma_start3A_12] : memref<80x128xi32, #tpu.memory_space<vmem>> -> memref<1x128xi32, #tpu.memory_space<vmem>>
    %dma_start3A_14 = tpu.memref_squeeze %dma_start3A_13 : memref<1x128xi32, #tpu.memory_space<vmem>> -> memref<128xi32, #tpu.memory_space<vmem>>
    %dma_start3A_15 = arith.constant 0 : i32
    %dma_start3A_16 = arith.constant 0 : i32
    %dma_start3A_17 = tpu.memref_slice %arg2[%dma_start3A_15, %dma_start3A_16] : memref<3276800x16xi32, #tpu.memory_space<hbm>> -> memref<3276800x16xi32, #tpu.memory_space<hbm>>
    tpu.enqueue_indirect_dma source(%dma_start3A_17 : memref<3276800x16xi32, #tpu.memory_space<hbm>>) target(%arg10 : memref<128x16xi32, #tpu.memory_space<vmem>>) offsets(%dma_start3A_14 : memref<128xi32, #tpu.memory_space<vmem>>) semaphore(%arg13 : memref<!tpu.dma_semaphore, #tpu.memory_space<semaphore_mem>>)
    %scan3A = arith.constant 0 : i32
    %scan3A_18 = arith.constant 0 : i32
    %scan3A_19 = arith.constant 40 : i32
    %scan3A_20 = arith.addi %scan3A_18, %scan3A_19 : i32
    %scan3A_21 = arith.constant 1 : i32
    scf.for %scan3A_23 = %scan3A_18 to %scan3A_20 step %scan3A_21  : i32 {
      %mul3A_24 = arith.constant 2 : i32
      %mul3A_25 = arith.muli %mul3A_24, %scan3A_23 : i32
      %add3A_26 = arith.constant 1 : i32
      %add3A_27 = arith.addi %mul3A_25, %add3A_26 : i32
      %dma_start3A_28 = arith.constant 0 : i32
      %dma_start3A_29 = tpu.memref_slice %arg7[%add3A_27, %dma_start3A_28] : memref<80x128xi32, #tpu.memory_space<vmem>> -> memref<1x128xi32, #tpu.memory_space<vmem>>
      %dma_start3A_30 = tpu.memref_squeeze %dma_start3A_29 : memref<1x128xi32, #tpu.memory_space<vmem>> -> memref<128xi32, #tpu.memory_space<vmem>>
      %dma_start3A_31 = arith.constant 0 : i32
      %dma_start3A_32 = arith.constant 0 : i32
      %dma_start3A_33 = tpu.memref_slice %arg2[%dma_start3A_31, %dma_start3A_32] : memref<3276800x16xi32, #tpu.memory_space<hbm>> -> memref<3276800x16xi32, #tpu.memory_space<hbm>>
      tpu.enqueue_indirect_dma source(%dma_start3A_33 : memref<3276800x16xi32, #tpu.memory_space<hbm>>) target(%arg11 : memref<128x16xi32, #tpu.memory_space<vmem>>) offsets(%dma_start3A_30 : memref<128xi32, #tpu.memory_space<vmem>>) semaphore(%arg14 : memref<!tpu.dma_semaphore, #tpu.memory_space<semaphore_mem>>)
      %dma_wait3A = arith.constant 0 : i32
      %dma_wait3A_34 = tpu.memref_slice %arg7[%mul3A_25, %dma_wait3A] : memref<80x128xi32, #tpu.memory_space<vmem>> -> memref<1x128xi32, #tpu.memory_space<vmem>>
      %dma_wait3A_35 = tpu.memref_squeeze %dma_wait3A_34 : memref<1x128xi32, #tpu.memory_space<vmem>> -> memref<128xi32, #tpu.memory_space<vmem>>
      %dma_wait3A_36 = arith.constant 0 : i32
      %dma_wait3A_37 = arith.constant 0 : i32
      %dma_wait3A_38 = tpu.memref_slice %arg2[%dma_wait3A_36, %dma_wait3A_37] : memref<3276800x16xi32, #tpu.memory_space<hbm>> -> memref<3276800x16xi32, #tpu.memory_space<hbm>>
      tpu.wait_indirect_dma semaphore(%arg13 : memref<!tpu.dma_semaphore, #tpu.memory_space<semaphore_mem>>) src(%dma_wait3A_38 : memref<3276800x16xi32, #tpu.memory_space<hbm>>) dst(%arg10 : memref<128x16xi32, #tpu.memory_space<vmem>>)
      %mul3A_39 = arith.constant 4 : i32
      %mul3A_40 = arith.muli %mul3A_25, %mul3A_39 : i32
      %add3A_41 = arith.constant 0 : i32
      %add3A_42 = arith.addi %mul3A_40, %add3A_41 : i32
      %add3A_43 = arith.addi %mul3A_2, %add3A_42 : i32
      %broadcast_in_dim3A_44 = vector.broadcast %add3A_43 : i32 to vector<16xi32>
      %gather3A = tpu.vector_load_idx %arg9[%broadcast_in_dim3A_44] : memref<10240xf32, #tpu.memory_space<vmem>>[vector<16xi32>], vector<16xf32>,
      %get3A = arith.index_cast %mul3A_25 : i32 to index
      %get3A_45 = arith.constant 0 : index
      %get3A_46 = tpu.vector_load %arg8[%get3A, %get3A_45] {strides = array<i32>} : memref<80x128xi32, #tpu.memory_space<vmem>>, vector<16xi32>,
      %broadcast_in_dim3A_47 = arith.constant 5120 : i32
      %broadcast_in_dim3A_48 = vector.broadcast %broadcast_in_dim3A_47 : i32 to vector<16xi32>
      %ge3A = arith.cmpi sge, %get3A_46, %broadcast_in_dim3A_48 : vector<16xi32>
      %jit3A = arith.constant 5120 : i32
      %jit3A_49 = arith.constant 0 : i32
      %broadcast_in_dim3A_50 = vector.broadcast %jit3A : i32 to vector<16xi32>
      %broadcast_in_dim3A_51 = vector.broadcast %jit3A_49 : i32 to vector<16xi32>
      %select_n3A = arith.select %ge3A, %broadcast_in_dim3A_50, %broadcast_in_dim3A_51 : vector<16xi1>, vector<16xi32>
      %sub3A = arith.subi %get3A_46, %select_n3A : vector<16xi32>
      %and3A = arith.andi %sub3A, %broadcast_in_dim3A_9 : vector<16xi32>
      %add3A_52 = arith.constant 0 : i32
      %add3A_53 = vector.broadcast %add3A_52 : i32 to vector<16xi32>
      %add3A_54 = arith.addi %add3A_53, %iota3A : vector<16xi32>
      %gather3A_55 = tpu.vector_load_idx %arg10[%add3A_54, %and3A] : memref<128x16xi32, #tpu.memory_space<vmem>>[vector<16xi32>, vector<16xi32>], vector<16xi32>,
      %shift_left3A = arith.constant 16 : i32
      %shift_left3A_56 = vector.broadcast %shift_left3A : i32 to vector<16xi32>
      %shift_left3A_57 = arith.shli %gather3A_55, %shift_left3A_56 : vector<16xi32>
      %bitcast_convert_type3A = tpu.bitcast %shift_left3A_57 : vector<16xi32> -> vector<16xf32>
      %and3A_58 = arith.andi %gather3A_55, %broadcast_in_dim3A_11 : vector<16xi32>
      %bitcast_convert_type3A_59 = tpu.bitcast %and3A_58 : vector<16xi32> -> vector<16xf32>
      %select_n3A_60 = arith.select %ge3A, %bitcast_convert_type3A_59, %bitcast_convert_type3A : vector<16xi1>, vector<16xf32>
      %gather3A_61 = tpu.vector_load_idx %arg9[%get3A_46] : memref<10240xf32, #tpu.memory_space<vmem>>[vector<16xi32>], vector<16xf32>,
      %add3A_62 = arith.addf %gather3A, %gather3A_61 : vector<16xf32>
      %add3A_63 = arith.addf %select_n3A_60, %select_n3A_60 : vector<16xf32>
      %sub3A_64 = arith.subf %add3A_62, %add3A_63 : vector<16xf32>
      %swap3A = arith.index_cast %add3A_42 : i32 to index
      %swap3A_65 = arith.constant 0 : index
      %swap3A_66 = tpu.vector_load %arg12[%swap3A, %swap3A_65] {strides = array<i32>} : memref<320x32xf32, #tpu.memory_space<vmem>>, vector<16xf32>,
      tpu.vector_store %arg12[%swap3A, %swap3A_65], %sub3A_64 {strides = array<i32>} : memref<320x32xf32, #tpu.memory_space<vmem>>, vector<16xf32>,
      %get3A_67 = arith.index_cast %mul3A_25 : i32 to index
      %get3A_68 = arith.constant 16 : index
      %get3A_69 = tpu.vector_load %arg8[%get3A_67, %get3A_68] {strides = array<i32>} : memref<80x128xi32, #tpu.memory_space<vmem>>, vector<16xi32>,
      %broadcast_in_dim3A_70 = arith.constant 5120 : i32
      %broadcast_in_dim3A_71 = vector.broadcast %broadcast_in_dim3A_70 : i32 to vector<16xi32>
      %ge3A_72 = arith.cmpi sge, %get3A_69, %broadcast_in_dim3A_71 : vector<16xi32>
      %jit3A_73 = arith.constant 5120 : i32
      %jit3A_74 = arith.constant 0 : i32
      %broadcast_in_dim3A_75 = vector.broadcast %jit3A_73 : i32 to vector<16xi32>
      %broadcast_in_dim3A_76 = vector.broadcast %jit3A_74 : i32 to vector<16xi32>
      %select_n3A_77 = arith.select %ge3A_72, %broadcast_in_dim3A_75, %broadcast_in_dim3A_76 : vector<16xi1>, vector<16xi32>
      %sub3A_78 = arith.subi %get3A_69, %select_n3A_77 : vector<16xi32>
      %and3A_79 = arith.andi %sub3A_78, %broadcast_in_dim3A_9 : vector<16xi32>
      %add3A_80 = arith.constant 16 : i32
      %add3A_81 = vector.broadcast %add3A_80 : i32 to vector<16xi32>
      %add3A_82 = arith.addi %add3A_81, %iota3A : vector<16xi32>
      %gather3A_83 = tpu.vector_load_idx %arg10[%add3A_82, %and3A_79] : memref<128x16xi32, #tpu.memory_space<vmem>>[vector<16xi32>, vector<16xi32>], vector<16xi32>,
      %shift_left3A_84 = arith.constant 16 : i32
      %shift_left3A_85 = vector.broadcast %shift_left3A_84 : i32 to vector<16xi32>
      %shift_left3A_86 = arith.shli %gather3A_83, %shift_left3A_85 : vector<16xi32>
      %bitcast_convert_type3A_87 = tpu.bitcast %shift_left3A_86 : vector<16xi32> -> vector<16xf32>
      %and3A_88 = arith.andi %gather3A_83, %broadcast_in_dim3A_11 : vector<16xi32>
      %bitcast_convert_type3A_89 = tpu.bitcast %and3A_88 : vector<16xi32> -> vector<16xf32>
      %select_n3A_90 = arith.select %ge3A_72, %bitcast_convert_type3A_89, %bitcast_convert_type3A_87 : vector<16xi1>, vector<16xf32>
      %gather3A_91 = tpu.vector_load_idx %arg9[%get3A_69] : memref<10240xf32, #tpu.memory_space<vmem>>[vector<16xi32>], vector<16xf32>,
      %add3A_92 = arith.addf %gather3A, %gather3A_91 : vector<16xf32>
      %add3A_93 = arith.addf %select_n3A_90, %select_n3A_90 : vector<16xf32>
      %sub3A_94 = arith.subf %add3A_92, %add3A_93 : vector<16xf32>
      %swap3A_95 = arith.index_cast %add3A_42 : i32 to index
      %swap3A_96 = arith.constant 16 : index
      %swap3A_97 = tpu.vector_load %arg12[%swap3A_95, %swap3A_96] {strides = array<i32>} : memref<320x32xf32, #tpu.memory_space<vmem>>, vector<16xf32>,
      tpu.vector_store %arg12[%swap3A_95, %swap3A_96], %sub3A_94 {strides = array<i32>} : memref<320x32xf32, #tpu.memory_space<vmem>>, vector<16xf32>,
      %mul3A_98 = arith.constant 4 : i32
      %mul3A_99 = arith.muli %mul3A_25, %mul3A_98 : i32
      %add3A_100 = arith.constant 1 : i32
      %add3A_101 = arith.addi %mul3A_99, %add3A_100 : i32
      %add3A_102 = arith.addi %mul3A_2, %add3A_101 : i32
      %broadcast_in_dim3A_103 = vector.broadcast %add3A_102 : i32 to vector<16xi32>
      %gather3A_104 = tpu.vector_load_idx %arg9[%broadcast_in_dim3A_103] : memref<10240xf32, #tpu.memory_space<vmem>>[vector<16xi32>], vector<16xf32>,
      %get3A_105 = arith.index_cast %mul3A_25 : i32 to index
      %get3A_106 = arith.constant 32 : index
      %get3A_107 = tpu.vector_load %arg8[%get3A_105, %get3A_106] {strides = array<i32>} : memref<80x128xi32, #tpu.memory_space<vmem>>, vector<16xi32>,
      %broadcast_in_dim3A_108 = arith.constant 5120 : i32
      %broadcast_in_dim3A_109 = vector.broadcast %broadcast_in_dim3A_108 : i32 to vector<16xi32>
      %ge3A_110 = arith.cmpi sge, %get3A_107, %broadcast_in_dim3A_109 : vector<16xi32>
      %jit3A_111 = arith.constant 5120 : i32
      %jit3A_112 = arith.constant 0 : i32
      %broadcast_in_dim3A_113 = vector.broadcast %jit3A_111 : i32 to vector<16xi32>
      %broadcast_in_dim3A_114 = vector.broadcast %jit3A_112 : i32 to vector<16xi32>
      %select_n3A_115 = arith.select %ge3A_110, %broadcast_in_dim3A_113, %broadcast_in_dim3A_114 : vector<16xi1>, vector<16xi32>
      %sub3A_116 = arith.subi %get3A_107, %select_n3A_115 : vector<16xi32>
      %and3A_117 = arith.andi %sub3A_116, %broadcast_in_dim3A_9 : vector<16xi32>
      %add3A_118 = arith.constant 32 : i32
      %add3A_119 = vector.broadcast %add3A_118 : i32 to vector<16xi32>
      %add3A_120 = arith.addi %add3A_119, %iota3A : vector<16xi32>
      %gather3A_121 = tpu.vector_load_idx %arg10[%add3A_120, %and3A_117] : memref<128x16xi32, #tpu.memory_space<vmem>>[vector<16xi32>, vector<16xi32>], vector<16xi32>,
      %shift_left3A_122 = arith.constant 16 : i32
      %shift_left3A_123 = vector.broadcast %shift_left3A_122 : i32 to vector<16xi32>
      %shift_left3A_124 = arith.shli %gather3A_121, %shift_left3A_123 : vector<16xi32>
      %bitcast_convert_type3A_125 = tpu.bitcast %shift_left3A_124 : vector<16xi32> -> vector<16xf32>
      %and3A_126 = arith.andi %gather3A_121, %broadcast_in_dim3A_11 : vector<16xi32>
      %bitcast_convert_type3A_127 = tpu.bitcast %and3A_126 : vector<16xi32> -> vector<16xf32>
      %select_n3A_128 = arith.select %ge3A_110, %bitcast_convert_type3A_127, %bitcast_convert_type3A_125 : vector<16xi1>, vector<16xf32>
      %gather3A_129 = tpu.vector_load_idx %arg9[%get3A_107] : memref<10240xf32, #tpu.memory_space<vmem>>[vector<16xi32>], vector<16xf32>,
      %add3A_130 = arith.addf %gather3A_104, %gather3A_129 : vector<16xf32>
      %add3A_131 = arith.addf %select_n3A_128, %select_n3A_128 : vector<16xf32>
      %sub3A_132 = arith.subf %add3A_130, %add3A_131 : vector<16xf32>
      %swap3A_133 = arith.index_cast %add3A_101 : i32 to index
      %swap3A_134 = arith.constant 0 : index
      %swap3A_135 = tpu.vector_load %arg12[%swap3A_133, %swap3A_134] {strides = array<i32>} : memref<320x32xf32, #tpu.memory_space<vmem>>, vector<16xf32>,
      tpu.vector_store %arg12[%swap3A_133, %swap3A_134], %sub3A_132 {strides = array<i32>} : memref<320x32xf32, #tpu.memory_space<vmem>>, vector<16xf32>,
      %get3A_136 = arith.index_cast %mul3A_25 : i32 to index
      %get3A_137 = arith.constant 48 : index
      %get3A_138 = tpu.vector_load %arg8[%get3A_136, %get3A_137] {strides = array<i32>} : memref<80x128xi32, #tpu.memory_space<vmem>>, vector<16xi32>,
      %broadcast_in_dim3A_139 = arith.constant 5120 : i32
      %broadcast_in_dim3A_140 = vector.broadcast %broadcast_in_dim3A_139 : i32 to vector<16xi32>
      %ge3A_141 = arith.cmpi sge, %get3A_138, %broadcast_in_dim3A_140 : vector<16xi32>
      %jit3A_142 = arith.constant 5120 : i32
      %jit3A_143 = arith.constant 0 : i32
      %broadcast_in_dim3A_144 = vector.broadcast %jit3A_142 : i32 to vector<16xi32>
      %broadcast_in_dim3A_145 = vector.broadcast %jit3A_143 : i32 to vector<16xi32>
      %select_n3A_146 = arith.select %ge3A_141, %broadcast_in_dim3A_144, %broadcast_in_dim3A_145 : vector<16xi1>, vector<16xi32>
      %sub3A_147 = arith.subi %get3A_138, %select_n3A_146 : vector<16xi32>
      %and3A_148 = arith.andi %sub3A_147, %broadcast_in_dim3A_9 : vector<16xi32>
      %add3A_149 = arith.constant 48 : i32
      %add3A_150 = vector.broadcast %add3A_149 : i32 to vector<16xi32>
      %add3A_151 = arith.addi %add3A_150, %iota3A : vector<16xi32>
      %gather3A_152 = tpu.vector_load_idx %arg10[%add3A_151, %and3A_148] : memref<128x16xi32, #tpu.memory_space<vmem>>[vector<16xi32>, vector<16xi32>], vector<16xi32>,
      %shift_left3A_153 = arith.constant 16 : i32
      %shift_left3A_154 = vector.broadcast %shift_left3A_153 : i32 to vector<16xi32>
      %shift_left3A_155 = arith.shli %gather3A_152, %shift_left3A_154 : vector<16xi32>
      %bitcast_convert_type3A_156 = tpu.bitcast %shift_left3A_155 : vector<16xi32> -> vector<16xf32>
      %and3A_157 = arith.andi %gather3A_152, %broadcast_in_dim3A_11 : vector<16xi32>
      %bitcast_convert_type3A_158 = tpu.bitcast %and3A_157 : vector<16xi32> -> vector<16xf32>
      %select_n3A_159 = arith.select %ge3A_141, %bitcast_convert_type3A_158, %bitcast_convert_type3A_156 : vector<16xi1>, vector<16xf32>
      %gather3A_160 = tpu.vector_load_idx %arg9[%get3A_138] : memref<10240xf32, #tpu.memory_space<vmem>>[vector<16xi32>], vector<16xf32>,
      %add3A_161 = arith.addf %gather3A_104, %gather3A_160 : vector<16xf32>
      %add3A_162 = arith.addf %select_n3A_159, %select_n3A_159 : vector<16xf32>
      %sub3A_163 = arith.subf %add3A_161, %add3A_162 : vector<16xf32>
      %swap3A_164 = arith.index_cast %add3A_101 : i32 to index
      %swap3A_165 = arith.constant 16 : index
      %swap3A_166 = tpu.vector_load %arg12[%swap3A_164, %swap3A_165] {strides = array<i32>} : memref<320x32xf32, #tpu.memory_space<vmem>>, vector<16xf32>,
      tpu.vector_store %arg12[%swap3A_164, %swap3A_165], %sub3A_163 {strides = array<i32>} : memref<320x32xf32, #tpu.memory_space<vmem>>, vector<16xf32>,
      %mul3A_167 = arith.constant 4 : i32
      %mul3A_168 = arith.muli %mul3A_25, %mul3A_167 : i32
      %add3A_169 = arith.constant 2 : i32
      %add3A_170 = arith.addi %mul3A_168, %add3A_169 : i32
      %add3A_171 = arith.addi %mul3A_2, %add3A_170 : i32
      %broadcast_in_dim3A_172 = vector.broadcast %add3A_171 : i32 to vector<16xi32>
      %gather3A_173 = tpu.vector_load_idx %arg9[%broadcast_in_dim3A_172] : memref<10240xf32, #tpu.memory_space<vmem>>[vector<16xi32>], vector<16xf32>,
      %get3A_174 = arith.index_cast %mul3A_25 : i32 to index
      %get3A_175 = arith.constant 64 : index
      %get3A_176 = tpu.vector_load %arg8[%get3A_174, %get3A_175] {strides = array<i32>} : memref<80x128xi32, #tpu.memory_space<vmem>>, vector<16xi32>,
      %broadcast_in_dim3A_177 = arith.constant 5120 : i32
      %broadcast_in_dim3A_178 = vector.broadcast %broadcast_in_dim3A_177 : i32 to vector<16xi32>
      %ge3A_179 = arith.cmpi sge, %get3A_176, %broadcast_in_dim3A_178 : vector<16xi32>
      %jit3A_180 = arith.constant 5120 : i32
      %jit3A_181 = arith.constant 0 : i32
      %broadcast_in_dim3A_182 = vector.broadcast %jit3A_180 : i32 to vector<16xi32>
      %broadcast_in_dim3A_183 = vector.broadcast %jit3A_181 : i32 to vector<16xi32>
      %select_n3A_184 = arith.select %ge3A_179, %broadcast_in_dim3A_182, %broadcast_in_dim3A_183 : vector<16xi1>, vector<16xi32>
      %sub3A_185 = arith.subi %get3A_176, %select_n3A_184 : vector<16xi32>
      %and3A_186 = arith.andi %sub3A_185, %broadcast_in_dim3A_9 : vector<16xi32>
      %add3A_187 = arith.constant 64 : i32
      %add3A_188 = vector.broadcast %add3A_187 : i32 to vector<16xi32>
      %add3A_189 = arith.addi %add3A_188, %iota3A : vector<16xi32>
      %gather3A_190 = tpu.vector_load_idx %arg10[%add3A_189, %and3A_186] : memref<128x16xi32, #tpu.memory_space<vmem>>[vector<16xi32>, vector<16xi32>], vector<16xi32>,
      %shift_left3A_191 = arith.constant 16 : i32
      %shift_left3A_192 = vector.broadcast %shift_left3A_191 : i32 to vector<16xi32>
      %shift_left3A_193 = arith.shli %gather3A_190, %shift_left3A_192 : vector<16xi32>
      %bitcast_convert_type3A_194 = tpu.bitcast %shift_left3A_193 : vector<16xi32> -> vector<16xf32>
      %and3A_195 = arith.andi %gather3A_190, %broadcast_in_dim3A_11 : vector<16xi32>
      %bitcast_convert_type3A_196 = tpu.bitcast %and3A_195 : vector<16xi32> -> vector<16xf32>
      %select_n3A_197 = arith.select %ge3A_179, %bitcast_convert_type3A_196, %bitcast_convert_type3A_194 : vector<16xi1>, vector<16xf32>
      %gather3A_198 = tpu.vector_load_idx %arg9[%get3A_176] : memref<10240xf32, #tpu.memory_space<vmem>>[vector<16xi32>], vector<16xf32>,
      %add3A_199 = arith.addf %gather3A_173, %gather3A_198 : vector<16xf32>
      %add3A_200 = arith.addf %select_n3A_197, %select_n3A_197 : vector<16xf32>
      %sub3A_201 = arith.subf %add3A_199, %add3A_200 : vector<16xf32>
      %swap3A_202 = arith.index_cast %add3A_170 : i32 to index
      %swap3A_203 = arith.constant 0 : index
      %swap3A_204 = tpu.vector_load %arg12[%swap3A_202, %swap3A_203] {strides = array<i32>} : memref<320x32xf32, #tpu.memory_space<vmem>>, vector<16xf32>,
      tpu.vector_store %arg12[%swap3A_202, %swap3A_203], %sub3A_201 {strides = array<i32>} : memref<320x32xf32, #tpu.memory_space<vmem>>, vector<16xf32>,
      %get3A_205 = arith.index_cast %mul3A_25 : i32 to index
      %get3A_206 = arith.constant 80 : index
      %get3A_207 = tpu.vector_load %arg8[%get3A_205, %get3A_206] {strides = array<i32>} : memref<80x128xi32, #tpu.memory_space<vmem>>, vector<16xi32>,
      %broadcast_in_dim3A_208 = arith.constant 5120 : i32
      %broadcast_in_dim3A_209 = vector.broadcast %broadcast_in_dim3A_208 : i32 to vector<16xi32>
      %ge3A_210 = arith.cmpi sge, %get3A_207, %broadcast_in_dim3A_209 : vector<16xi32>
      %jit3A_211 = arith.constant 5120 : i32
      %jit3A_212 = arith.constant 0 : i32
      %broadcast_in_dim3A_213 = vector.broadcast %jit3A_211 : i32 to vector<16xi32>
      %broadcast_in_dim3A_214 = vector.broadcast %jit3A_212 : i32 to vector<16xi32>
      %select_n3A_215 = arith.select %ge3A_210, %broadcast_in_dim3A_213, %broadcast_in_dim3A_214 : vector<16xi1>, vector<16xi32>
      %sub3A_216 = arith.subi %get3A_207, %select_n3A_215 : vector<16xi32>
      %and3A_217 = arith.andi %sub3A_216, %broadcast_in_dim3A_9 : vector<16xi32>
      %add3A_218 = arith.constant 80 : i32
      %add3A_219 = vector.broadcast %add3A_218 : i32 to vector<16xi32>
      %add3A_220 = arith.addi %add3A_219, %iota3A : vector<16xi32>
      %gather3A_221 = tpu.vector_load_idx %arg10[%add3A_220, %and3A_217] : memref<128x16xi32, #tpu.memory_space<vmem>>[vector<16xi32>, vector<16xi32>], vector<16xi32>,
      %shift_left3A_222 = arith.constant 16 : i32
      %shift_left3A_223 = vector.broadcast %shift_left3A_222 : i32 to vector<16xi32>
      %shift_left3A_224 = arith.shli %gather3A_221, %shift_left3A_223 : vector<16xi32>
      %bitcast_convert_type3A_225 = tpu.bitcast %shift_left3A_224 : vector<16xi32> -> vector<16xf32>
      %and3A_226 = arith.andi %gather3A_221, %broadcast_in_dim3A_11 : vector<16xi32>
      %bitcast_convert_type3A_227 = tpu.bitcast %and3A_226 : vector<16xi32> -> vector<16xf32>
      %select_n3A_228 = arith.select %ge3A_210, %bitcast_convert_type3A_227, %bitcast_convert_type3A_225 : vector<16xi1>, vector<16xf32>
      %gather3A_229 = tpu.vector_load_idx %arg9[%get3A_207] : memref<10240xf32, #tpu.memory_space<vmem>>[vector<16xi32>], vector<16xf32>,
      %add3A_230 = arith.addf %gather3A_173, %gather3A_229 : vector<16xf32>
      %add3A_231 = arith.addf %select_n3A_228, %select_n3A_228 : vector<16xf32>
      %sub3A_232 = arith.subf %add3A_230, %add3A_231 : vector<16xf32>
      %swap3A_233 = arith.index_cast %add3A_170 : i32 to index
      %swap3A_234 = arith.constant 16 : index
      %swap3A_235 = tpu.vector_load %arg12[%swap3A_233, %swap3A_234] {strides = array<i32>} : memref<320x32xf32, #tpu.memory_space<vmem>>, vector<16xf32>,
      tpu.vector_store %arg12[%swap3A_233, %swap3A_234], %sub3A_232 {strides = array<i32>} : memref<320x32xf32, #tpu.memory_space<vmem>>, vector<16xf32>,
      %mul3A_236 = arith.constant 4 : i32
      %mul3A_237 = arith.muli %mul3A_25, %mul3A_236 : i32
      %add3A_238 = arith.constant 3 : i32
      %add3A_239 = arith.addi %mul3A_237, %add3A_238 : i32
      %add3A_240 = arith.addi %mul3A_2, %add3A_239 : i32
      %broadcast_in_dim3A_241 = vector.broadcast %add3A_240 : i32 to vector<16xi32>
      %gather3A_242 = tpu.vector_load_idx %arg9[%broadcast_in_dim3A_241] : memref<10240xf32, #tpu.memory_space<vmem>>[vector<16xi32>], vector<16xf32>,
      %get3A_243 = arith.index_cast %mul3A_25 : i32 to index
      %get3A_244 = arith.constant 96 : index
      %get3A_245 = tpu.vector_load %arg8[%get3A_243, %get3A_244] {strides = array<i32>} : memref<80x128xi32, #tpu.memory_space<vmem>>, vector<16xi32>,
      %broadcast_in_dim3A_246 = arith.constant 5120 : i32
      %broadcast_in_dim3A_247 = vector.broadcast %broadcast_in_dim3A_246 : i32 to vector<16xi32>
      %ge3A_248 = arith.cmpi sge, %get3A_245, %broadcast_in_dim3A_247 : vector<16xi32>
      %jit3A_249 = arith.constant 5120 : i32
      %jit3A_250 = arith.constant 0 : i32
      %broadcast_in_dim3A_251 = vector.broadcast %jit3A_249 : i32 to vector<16xi32>
      %broadcast_in_dim3A_252 = vector.broadcast %jit3A_250 : i32 to vector<16xi32>
      %select_n3A_253 = arith.select %ge3A_248, %broadcast_in_dim3A_251, %broadcast_in_dim3A_252 : vector<16xi1>, vector<16xi32>
      %sub3A_254 = arith.subi %get3A_245, %select_n3A_253 : vector<16xi32>
      %and3A_255 = arith.andi %sub3A_254, %broadcast_in_dim3A_9 : vector<16xi32>
      %add3A_256 = arith.constant 96 : i32
      %add3A_257 = vector.broadcast %add3A_256 : i32 to vector<16xi32>
      %add3A_258 = arith.addi %add3A_257, %iota3A : vector<16xi32>
      %gather3A_259 = tpu.vector_load_idx %arg10[%add3A_258, %and3A_255] : memref<128x16xi32, #tpu.memory_space<vmem>>[vector<16xi32>, vector<16xi32>], vector<16xi32>,
      %shift_left3A_260 = arith.constant 16 : i32
      %shift_left3A_261 = vector.broadcast %shift_left3A_260 : i32 to vector<16xi32>
      %shift_left3A_262 = arith.shli %gather3A_259, %shift_left3A_261 : vector<16xi32>
      %bitcast_convert_type3A_263 = tpu.bitcast %shift_left3A_262 : vector<16xi32> -> vector<16xf32>
      %and3A_264 = arith.andi %gather3A_259, %broadcast_in_dim3A_11 : vector<16xi32>
      %bitcast_convert_type3A_265 = tpu.bitcast %and3A_264 : vector<16xi32> -> vector<16xf32>
      %select_n3A_266 = arith.select %ge3A_248, %bitcast_convert_type3A_265, %bitcast_convert_type3A_263 : vector<16xi1>, vector<16xf32>
      %gather3A_267 = tpu.vector_load_idx %arg9[%get3A_245] : memref<10240xf32, #tpu.memory_space<vmem>>[vector<16xi32>], vector<16xf32>,
      %add3A_268 = arith.addf %gather3A_242, %gather3A_267 : vector<16xf32>
      %add3A_269 = arith.addf %select_n3A_266, %select_n3A_266 : vector<16xf32>
      %sub3A_270 = arith.subf %add3A_268, %add3A_269 : vector<16xf32>
      %swap3A_271 = arith.index_cast %add3A_239 : i32 to index
      %swap3A_272 = arith.constant 0 : index
      %swap3A_273 = tpu.vector_load %arg12[%swap3A_271, %swap3A_272] {strides = array<i32>} : memref<320x32xf32, #tpu.memory_space<vmem>>, vector<16xf32>,
      tpu.vector_store %arg12[%swap3A_271, %swap3A_272], %sub3A_270 {strides = array<i32>} : memref<320x32xf32, #tpu.memory_space<vmem>>, vector<16xf32>,
      %get3A_274 = arith.index_cast %mul3A_25 : i32 to index
      %get3A_275 = arith.constant 112 : index
      %get3A_276 = tpu.vector_load %arg8[%get3A_274, %get3A_275] {strides = array<i32>} : memref<80x128xi32, #tpu.memory_space<vmem>>, vector<16xi32>,
      %broadcast_in_dim3A_277 = arith.constant 5120 : i32
      %broadcast_in_dim3A_278 = vector.broadcast %broadcast_in_dim3A_277 : i32 to vector<16xi32>
      %ge3A_279 = arith.cmpi sge, %get3A_276, %broadcast_in_dim3A_278 : vector<16xi32>
      %jit3A_280 = arith.constant 5120 : i32
      %jit3A_281 = arith.constant 0 : i32
      %broadcast_in_dim3A_282 = vector.broadcast %jit3A_280 : i32 to vector<16xi32>
      %broadcast_in_dim3A_283 = vector.broadcast %jit3A_281 : i32 to vector<16xi32>
      %select_n3A_284 = arith.select %ge3A_279, %broadcast_in_dim3A_282, %broadcast_in_dim3A_283 : vector<16xi1>, vector<16xi32>
      %sub3A_285 = arith.subi %get3A_276, %select_n3A_284 : vector<16xi32>
      %and3A_286 = arith.andi %sub3A_285, %broadcast_in_dim3A_9 : vector<16xi32>
      %add3A_287 = arith.constant 112 : i32
      %add3A_288 = vector.broadcast %add3A_287 : i32 to vector<16xi32>
      %add3A_289 = arith.addi %add3A_288, %iota3A : vector<16xi32>
      %gather3A_290 = tpu.vector_load_idx %arg10[%add3A_289, %and3A_286] : memref<128x16xi32, #tpu.memory_space<vmem>>[vector<16xi32>, vector<16xi32>], vector<16xi32>,
      %shift_left3A_291 = arith.constant 16 : i32
      %shift_left3A_292 = vector.broadcast %shift_left3A_291 : i32 to vector<16xi32>
      %shift_left3A_293 = arith.shli %gather3A_290, %shift_left3A_292 : vector<16xi32>
      %bitcast_convert_type3A_294 = tpu.bitcast %shift_left3A_293 : vector<16xi32> -> vector<16xf32>
      %and3A_295 = arith.andi %gather3A_290, %broadcast_in_dim3A_11 : vector<16xi32>
      %bitcast_convert_type3A_296 = tpu.bitcast %and3A_295 : vector<16xi32> -> vector<16xf32>
      %select_n3A_297 = arith.select %ge3A_279, %bitcast_convert_type3A_296, %bitcast_convert_type3A_294 : vector<16xi1>, vector<16xf32>
      %gather3A_298 = tpu.vector_load_idx %arg9[%get3A_276] : memref<10240xf32, #tpu.memory_space<vmem>>[vector<16xi32>], vector<16xf32>,
      %add3A_299 = arith.addf %gather3A_242, %gather3A_298 : vector<16xf32>
      %add3A_300 = arith.addf %select_n3A_297, %select_n3A_297 : vector<16xf32>
      %sub3A_301 = arith.subf %add3A_299, %add3A_300 : vector<16xf32>
      %swap3A_302 = arith.index_cast %add3A_239 : i32 to index
      %swap3A_303 = arith.constant 16 : index
      %swap3A_304 = tpu.vector_load %arg12[%swap3A_302, %swap3A_303] {strides = array<i32>} : memref<320x32xf32, #tpu.memory_space<vmem>>, vector<16xf32>,
      tpu.vector_store %arg12[%swap3A_302, %swap3A_303], %sub3A_301 {strides = array<i32>} : memref<320x32xf32, #tpu.memory_space<vmem>>, vector<16xf32>,
      %lt3A = arith.constant 39 : i32
      %lt3A_305 = arith.cmpi slt, %scan3A_23, %lt3A : i32
      %convert_element_type3A = arith.extui %lt3A_305 : i1 to i32
      %cond3A = arith.constant 0 : i32
      %cond3A_306 = arith.cmpi ne, %convert_element_type3A, %cond3A : i32
      scf.if %cond3A_306 {
        %add3A_593 = arith.constant 2 : i32
        %add3A_594 = arith.addi %mul3A_25, %add3A_593 : i32
        %dma_start3A_595 = arith.constant 0 : i32
        %dma_start3A_596 = tpu.memref_slice %arg7[%add3A_594, %dma_start3A_595] : memref<80x128xi32, #tpu.memory_space<vmem>> -> memref<1x128xi32, #tpu.memory_space<vmem>>
        %dma_start3A_597 = tpu.memref_squeeze %dma_start3A_596 : memref<1x128xi32, #tpu.memory_space<vmem>> -> memref<128xi32, #tpu.memory_space<vmem>>
        %dma_start3A_598 = arith.constant 0 : i32
        %dma_start3A_599 = arith.constant 0 : i32
        %dma_start3A_600 = tpu.memref_slice %arg2[%dma_start3A_598, %dma_start3A_599] : memref<3276800x16xi32, #tpu.memory_space<hbm>> -> memref<3276800x16xi32, #tpu.memory_space<hbm>>
        tpu.enqueue_indirect_dma source(%dma_start3A_600 : memref<3276800x16xi32, #tpu.memory_space<hbm>>) target(%arg10 : memref<128x16xi32, #tpu.memory_space<vmem>>) offsets(%dma_start3A_597 : memref<128xi32, #tpu.memory_space<vmem>>) semaphore(%arg13 : memref<!tpu.dma_semaphore, #tpu.memory_space<semaphore_mem>>)
      } else {
      }
      %add3A_307 = arith.constant 1 : i32
      %add3A_308 = arith.addi %mul3A_25, %add3A_307 : i32
      %dma_wait3A_309 = arith.constant 0 : i32
      %dma_wait3A_310 = tpu.memref_slice %arg7[%add3A_308, %dma_wait3A_309] : memref<80x128xi32, #tpu.memory_space<vmem>> -> memref<1x128xi32, #tpu.memory_space<vmem>>
      %dma_wait3A_311 = tpu.memref_squeeze %dma_wait3A_310 : memref<1x128xi32, #tpu.memory_space<vmem>> -> memref<128xi32, #tpu.memory_space<vmem>>
      %dma_wait3A_312 = arith.constant 0 : i32
      %dma_wait3A_313 = arith.constant 0 : i32
      %dma_wait3A_314 = tpu.memref_slice %arg2[%dma_wait3A_312, %dma_wait3A_313] : memref<3276800x16xi32, #tpu.memory_space<hbm>> -> memref<3276800x16xi32, #tpu.memory_space<hbm>>
      tpu.wait_indirect_dma semaphore(%arg14 : memref<!tpu.dma_semaphore, #tpu.memory_space<semaphore_mem>>) src(%dma_wait3A_314 : memref<3276800x16xi32, #tpu.memory_space<hbm>>) dst(%arg11 : memref<128x16xi32, #tpu.memory_space<vmem>>)
      %add3A_315 = arith.constant 1 : i32
      %add3A_316 = arith.addi %mul3A_25, %add3A_315 : i32
      %mul3A_317 = arith.constant 4 : i32
      %mul3A_318 = arith.muli %add3A_316, %mul3A_317 : i32
      %add3A_319 = arith.constant 0 : i32
      %add3A_320 = arith.addi %mul3A_318, %add3A_319 : i32
      %add3A_321 = arith.addi %mul3A_2, %add3A_320 : i32
      %broadcast_in_dim3A_322 = vector.broadcast %add3A_321 : i32 to vector<16xi32>
      %gather3A_323 = tpu.vector_load_idx %arg9[%broadcast_in_dim3A_322] : memref<10240xf32, #tpu.memory_space<vmem>>[vector<16xi32>], vector<16xf32>,
      %get3A_324 = arith.index_cast %add3A_316 : i32 to index
      %get3A_325 = arith.constant 0 : index
      %get3A_326 = tpu.vector_load %arg8[%get3A_324, %get3A_325] {strides = array<i32>} : memref<80x128xi32, #tpu.memory_space<vmem>>, vector<16xi32>,
      %broadcast_in_dim3A_327 = arith.constant 5120 : i32
      %broadcast_in_dim3A_328 = vector.broadcast %broadcast_in_dim3A_327 : i32 to vector<16xi32>
      %ge3A_329 = arith.cmpi sge, %get3A_326, %broadcast_in_dim3A_328 : vector<16xi32>
      %jit3A_330 = arith.constant 5120 : i32
      %jit3A_331 = arith.constant 0 : i32
      %broadcast_in_dim3A_332 = vector.broadcast %jit3A_330 : i32 to vector<16xi32>
      %broadcast_in_dim3A_333 = vector.broadcast %jit3A_331 : i32 to vector<16xi32>
      %select_n3A_334 = arith.select %ge3A_329, %broadcast_in_dim3A_332, %broadcast_in_dim3A_333 : vector<16xi1>, vector<16xi32>
      %sub3A_335 = arith.subi %get3A_326, %select_n3A_334 : vector<16xi32>
      %and3A_336 = arith.andi %sub3A_335, %broadcast_in_dim3A_9 : vector<16xi32>
      %add3A_337 = arith.constant 0 : i32
      %add3A_338 = vector.broadcast %add3A_337 : i32 to vector<16xi32>
      %add3A_339 = arith.addi %add3A_338, %iota3A : vector<16xi32>
      %gather3A_340 = tpu.vector_load_idx %arg11[%add3A_339, %and3A_336] : memref<128x16xi32, #tpu.memory_space<vmem>>[vector<16xi32>, vector<16xi32>], vector<16xi32>,
      %shift_left3A_341 = arith.constant 16 : i32
      %shift_left3A_342 = vector.broadcast %shift_left3A_341 : i32 to vector<16xi32>
      %shift_left3A_343 = arith.shli %gather3A_340, %shift_left3A_342 : vector<16xi32>
      %bitcast_convert_type3A_344 = tpu.bitcast %shift_left3A_343 : vector<16xi32> -> vector<16xf32>
      %and3A_345 = arith.andi %gather3A_340, %broadcast_in_dim3A_11 : vector<16xi32>
      %bitcast_convert_type3A_346 = tpu.bitcast %and3A_345 : vector<16xi32> -> vector<16xf32>
      %select_n3A_347 = arith.select %ge3A_329, %bitcast_convert_type3A_346, %bitcast_convert_type3A_344 : vector<16xi1>, vector<16xf32>
      %gather3A_348 = tpu.vector_load_idx %arg9[%get3A_326] : memref<10240xf32, #tpu.memory_space<vmem>>[vector<16xi32>], vector<16xf32>,
      %add3A_349 = arith.addf %gather3A_323, %gather3A_348 : vector<16xf32>
      %add3A_350 = arith.addf %select_n3A_347, %select_n3A_347 : vector<16xf32>
      %sub3A_351 = arith.subf %add3A_349, %add3A_350 : vector<16xf32>
      %swap3A_352 = arith.index_cast %add3A_320 : i32 to index
      %swap3A_353 = arith.constant 0 : index
      %swap3A_354 = tpu.vector_load %arg12[%swap3A_352, %swap3A_353] {strides = array<i32>} : memref<320x32xf32, #tpu.memory_space<vmem>>, vector<16xf32>,
      tpu.vector_store %arg12[%swap3A_352, %swap3A_353], %sub3A_351 {strides = array<i32>} : memref<320x32xf32, #tpu.memory_space<vmem>>, vector<16xf32>,
      %get3A_355 = arith.index_cast %add3A_316 : i32 to index
      %get3A_356 = arith.constant 16 : index
      %get3A_357 = tpu.vector_load %arg8[%get3A_355, %get3A_356] {strides = array<i32>} : memref<80x128xi32, #tpu.memory_space<vmem>>, vector<16xi32>,
      %broadcast_in_dim3A_358 = arith.constant 5120 : i32
      %broadcast_in_dim3A_359 = vector.broadcast %broadcast_in_dim3A_358 : i32 to vector<16xi32>
      %ge3A_360 = arith.cmpi sge, %get3A_357, %broadcast_in_dim3A_359 : vector<16xi32>
      %jit3A_361 = arith.constant 5120 : i32
      %jit3A_362 = arith.constant 0 : i32
      %broadcast_in_dim3A_363 = vector.broadcast %jit3A_361 : i32 to vector<16xi32>
      %broadcast_in_dim3A_364 = vector.broadcast %jit3A_362 : i32 to vector<16xi32>
      %select_n3A_365 = arith.select %ge3A_360, %broadcast_in_dim3A_363, %broadcast_in_dim3A_364 : vector<16xi1>, vector<16xi32>
      %sub3A_366 = arith.subi %get3A_357, %select_n3A_365 : vector<16xi32>
      %and3A_367 = arith.andi %sub3A_366, %broadcast_in_dim3A_9 : vector<16xi32>
      %add3A_368 = arith.constant 16 : i32
      %add3A_369 = vector.broadcast %add3A_368 : i32 to vector<16xi32>
      %add3A_370 = arith.addi %add3A_369, %iota3A : vector<16xi32>
      %gather3A_371 = tpu.vector_load_idx %arg11[%add3A_370, %and3A_367] : memref<128x16xi32, #tpu.memory_space<vmem>>[vector<16xi32>, vector<16xi32>], vector<16xi32>,
      %shift_left3A_372 = arith.constant 16 : i32
      %shift_left3A_373 = vector.broadcast %shift_left3A_372 : i32 to vector<16xi32>
      %shift_left3A_374 = arith.shli %gather3A_371, %shift_left3A_373 : vector<16xi32>
      %bitcast_convert_type3A_375 = tpu.bitcast %shift_left3A_374 : vector<16xi32> -> vector<16xf32>
      %and3A_376 = arith.andi %gather3A_371, %broadcast_in_dim3A_11 : vector<16xi32>
      %bitcast_convert_type3A_377 = tpu.bitcast %and3A_376 : vector<16xi32> -> vector<16xf32>
      %select_n3A_378 = arith.select %ge3A_360, %bitcast_convert_type3A_377, %bitcast_convert_type3A_375 : vector<16xi1>, vector<16xf32>
      %gather3A_379 = tpu.vector_load_idx %arg9[%get3A_357] : memref<10240xf32, #tpu.memory_space<vmem>>[vector<16xi32>], vector<16xf32>,
      %add3A_380 = arith.addf %gather3A_323, %gather3A_379 : vector<16xf32>
      %add3A_381 = arith.addf %select_n3A_378, %select_n3A_378 : vector<16xf32>
      %sub3A_382 = arith.subf %add3A_380, %add3A_381 : vector<16xf32>
      %swap3A_383 = arith.index_cast %add3A_320 : i32 to index
      %swap3A_384 = arith.constant 16 : index
      %swap3A_385 = tpu.vector_load %arg12[%swap3A_383, %swap3A_384] {strides = array<i32>} : memref<320x32xf32, #tpu.memory_space<vmem>>, vector<16xf32>,
      tpu.vector_store %arg12[%swap3A_383, %swap3A_384], %sub3A_382 {strides = array<i32>} : memref<320x32xf32, #tpu.memory_space<vmem>>, vector<16xf32>,
      %mul3A_386 = arith.constant 4 : i32
      %mul3A_387 = arith.muli %add3A_316, %mul3A_386 : i32
      %add3A_388 = arith.constant 1 : i32
      %add3A_389 = arith.addi %mul3A_387, %add3A_388 : i32
      %add3A_390 = arith.addi %mul3A_2, %add3A_389 : i32
      %broadcast_in_dim3A_391 = vector.broadcast %add3A_390 : i32 to vector<16xi32>
      %gather3A_392 = tpu.vector_load_idx %arg9[%broadcast_in_dim3A_391] : memref<10240xf32, #tpu.memory_space<vmem>>[vector<16xi32>], vector<16xf32>,
      %get3A_393 = arith.index_cast %add3A_316 : i32 to index
      %get3A_394 = arith.constant 32 : index
      %get3A_395 = tpu.vector_load %arg8[%get3A_393, %get3A_394] {strides = array<i32>} : memref<80x128xi32, #tpu.memory_space<vmem>>, vector<16xi32>,
      %broadcast_in_dim3A_396 = arith.constant 5120 : i32
      %broadcast_in_dim3A_397 = vector.broadcast %broadcast_in_dim3A_396 : i32 to vector<16xi32>
      %ge3A_398 = arith.cmpi sge, %get3A_395, %broadcast_in_dim3A_397 : vector<16xi32>
      %jit3A_399 = arith.constant 5120 : i32
      %jit3A_400 = arith.constant 0 : i32
      %broadcast_in_dim3A_401 = vector.broadcast %jit3A_399 : i32 to vector<16xi32>
      %broadcast_in_dim3A_402 = vector.broadcast %jit3A_400 : i32 to vector<16xi32>
      %select_n3A_403 = arith.select %ge3A_398, %broadcast_in_dim3A_401, %broadcast_in_dim3A_402 : vector<16xi1>, vector<16xi32>
      %sub3A_404 = arith.subi %get3A_395, %select_n3A_403 : vector<16xi32>
      %and3A_405 = arith.andi %sub3A_404, %broadcast_in_dim3A_9 : vector<16xi32>
      %add3A_406 = arith.constant 32 : i32
      %add3A_407 = vector.broadcast %add3A_406 : i32 to vector<16xi32>
      %add3A_408 = arith.addi %add3A_407, %iota3A : vector<16xi32>
      %gather3A_409 = tpu.vector_load_idx %arg11[%add3A_408, %and3A_405] : memref<128x16xi32, #tpu.memory_space<vmem>>[vector<16xi32>, vector<16xi32>], vector<16xi32>,
      %shift_left3A_410 = arith.constant 16 : i32
      %shift_left3A_411 = vector.broadcast %shift_left3A_410 : i32 to vector<16xi32>
      %shift_left3A_412 = arith.shli %gather3A_409, %shift_left3A_411 : vector<16xi32>
      %bitcast_convert_type3A_413 = tpu.bitcast %shift_left3A_412 : vector<16xi32> -> vector<16xf32>
      %and3A_414 = arith.andi %gather3A_409, %broadcast_in_dim3A_11 : vector<16xi32>
      %bitcast_convert_type3A_415 = tpu.bitcast %and3A_414 : vector<16xi32> -> vector<16xf32>
      %select_n3A_416 = arith.select %ge3A_398, %bitcast_convert_type3A_415, %bitcast_convert_type3A_413 : vector<16xi1>, vector<16xf32>
      %gather3A_417 = tpu.vector_load_idx %arg9[%get3A_395] : memref<10240xf32, #tpu.memory_space<vmem>>[vector<16xi32>], vector<16xf32>,
      %add3A_418 = arith.addf %gather3A_392, %gather3A_417 : vector<16xf32>
      %add3A_419 = arith.addf %select_n3A_416, %select_n3A_416 : vector<16xf32>
      %sub3A_420 = arith.subf %add3A_418, %add3A_419 : vector<16xf32>
      %swap3A_421 = arith.index_cast %add3A_389 : i32 to index
      %swap3A_422 = arith.constant 0 : index
      %swap3A_423 = tpu.vector_load %arg12[%swap3A_421, %swap3A_422] {strides = array<i32>} : memref<320x32xf32, #tpu.memory_space<vmem>>, vector<16xf32>,
      tpu.vector_store %arg12[%swap3A_421, %swap3A_422], %sub3A_420 {strides = array<i32>} : memref<320x32xf32, #tpu.memory_space<vmem>>, vector<16xf32>,
      %get3A_424 = arith.index_cast %add3A_316 : i32 to index
      %get3A_425 = arith.constant 48 : index
      %get3A_426 = tpu.vector_load %arg8[%get3A_424, %get3A_425] {strides = array<i32>} : memref<80x128xi32, #tpu.memory_space<vmem>>, vector<16xi32>,
      %broadcast_in_dim3A_427 = arith.constant 5120 : i32
      %broadcast_in_dim3A_428 = vector.broadcast %broadcast_in_dim3A_427 : i32 to vector<16xi32>
      %ge3A_429 = arith.cmpi sge, %get3A_426, %broadcast_in_dim3A_428 : vector<16xi32>
      %jit3A_430 = arith.constant 5120 : i32
      %jit3A_431 = arith.constant 0 : i32
      %broadcast_in_dim3A_432 = vector.broadcast %jit3A_430 : i32 to vector<16xi32>
      %broadcast_in_dim3A_433 = vector.broadcast %jit3A_431 : i32 to vector<16xi32>
      %select_n3A_434 = arith.select %ge3A_429, %broadcast_in_dim3A_432, %broadcast_in_dim3A_433 : vector<16xi1>, vector<16xi32>
      %sub3A_435 = arith.subi %get3A_426, %select_n3A_434 : vector<16xi32>
      %and3A_436 = arith.andi %sub3A_435, %broadcast_in_dim3A_9 : vector<16xi32>
      %add3A_437 = arith.constant 48 : i32
      %add3A_438 = vector.broadcast %add3A_437 : i32 to vector<16xi32>
      %add3A_439 = arith.addi %add3A_438, %iota3A : vector<16xi32>
      %gather3A_440 = tpu.vector_load_idx %arg11[%add3A_439, %and3A_436] : memref<128x16xi32, #tpu.memory_space<vmem>>[vector<16xi32>, vector<16xi32>], vector<16xi32>,
      %shift_left3A_441 = arith.constant 16 : i32
      %shift_left3A_442 = vector.broadcast %shift_left3A_441 : i32 to vector<16xi32>
      %shift_left3A_443 = arith.shli %gather3A_440, %shift_left3A_442 : vector<16xi32>
      %bitcast_convert_type3A_444 = tpu.bitcast %shift_left3A_443 : vector<16xi32> -> vector<16xf32>
      %and3A_445 = arith.andi %gather3A_440, %broadcast_in_dim3A_11 : vector<16xi32>
      %bitcast_convert_type3A_446 = tpu.bitcast %and3A_445 : vector<16xi32> -> vector<16xf32>
      %select_n3A_447 = arith.select %ge3A_429, %bitcast_convert_type3A_446, %bitcast_convert_type3A_444 : vector<16xi1>, vector<16xf32>
      %gather3A_448 = tpu.vector_load_idx %arg9[%get3A_426] : memref<10240xf32, #tpu.memory_space<vmem>>[vector<16xi32>], vector<16xf32>,
      %add3A_449 = arith.addf %gather3A_392, %gather3A_448 : vector<16xf32>
      %add3A_450 = arith.addf %select_n3A_447, %select_n3A_447 : vector<16xf32>
      %sub3A_451 = arith.subf %add3A_449, %add3A_450 : vector<16xf32>
      %swap3A_452 = arith.index_cast %add3A_389 : i32 to index
      %swap3A_453 = arith.constant 16 : index
      %swap3A_454 = tpu.vector_load %arg12[%swap3A_452, %swap3A_453] {strides = array<i32>} : memref<320x32xf32, #tpu.memory_space<vmem>>, vector<16xf32>,
      tpu.vector_store %arg12[%swap3A_452, %swap3A_453], %sub3A_451 {strides = array<i32>} : memref<320x32xf32, #tpu.memory_space<vmem>>, vector<16xf32>,
      %mul3A_455 = arith.constant 4 : i32
      %mul3A_456 = arith.muli %add3A_316, %mul3A_455 : i32
      %add3A_457 = arith.constant 2 : i32
      %add3A_458 = arith.addi %mul3A_456, %add3A_457 : i32
      %add3A_459 = arith.addi %mul3A_2, %add3A_458 : i32
      %broadcast_in_dim3A_460 = vector.broadcast %add3A_459 : i32 to vector<16xi32>
      %gather3A_461 = tpu.vector_load_idx %arg9[%broadcast_in_dim3A_460] : memref<10240xf32, #tpu.memory_space<vmem>>[vector<16xi32>], vector<16xf32>,
      %get3A_462 = arith.index_cast %add3A_316 : i32 to index
      %get3A_463 = arith.constant 64 : index
      %get3A_464 = tpu.vector_load %arg8[%get3A_462, %get3A_463] {strides = array<i32>} : memref<80x128xi32, #tpu.memory_space<vmem>>, vector<16xi32>,
      %broadcast_in_dim3A_465 = arith.constant 5120 : i32
      %broadcast_in_dim3A_466 = vector.broadcast %broadcast_in_dim3A_465 : i32 to vector<16xi32>
      %ge3A_467 = arith.cmpi sge, %get3A_464, %broadcast_in_dim3A_466 : vector<16xi32>
      %jit3A_468 = arith.constant 5120 : i32
      %jit3A_469 = arith.constant 0 : i32
      %broadcast_in_dim3A_470 = vector.broadcast %jit3A_468 : i32 to vector<16xi32>
      %broadcast_in_dim3A_471 = vector.broadcast %jit3A_469 : i32 to vector<16xi32>
      %select_n3A_472 = arith.select %ge3A_467, %broadcast_in_dim3A_470, %broadcast_in_dim3A_471 : vector<16xi1>, vector<16xi32>
      %sub3A_473 = arith.subi %get3A_464, %select_n3A_472 : vector<16xi32>
      %and3A_474 = arith.andi %sub3A_473, %broadcast_in_dim3A_9 : vector<16xi32>
      %add3A_475 = arith.constant 64 : i32
      %add3A_476 = vector.broadcast %add3A_475 : i32 to vector<16xi32>
      %add3A_477 = arith.addi %add3A_476, %iota3A : vector<16xi32>
      %gather3A_478 = tpu.vector_load_idx %arg11[%add3A_477, %and3A_474] : memref<128x16xi32, #tpu.memory_space<vmem>>[vector<16xi32>, vector<16xi32>], vector<16xi32>,
      %shift_left3A_479 = arith.constant 16 : i32
      %shift_left3A_480 = vector.broadcast %shift_left3A_479 : i32 to vector<16xi32>
      %shift_left3A_481 = arith.shli %gather3A_478, %shift_left3A_480 : vector<16xi32>
      %bitcast_convert_type3A_482 = tpu.bitcast %shift_left3A_481 : vector<16xi32> -> vector<16xf32>
      %and3A_483 = arith.andi %gather3A_478, %broadcast_in_dim3A_11 : vector<16xi32>
      %bitcast_convert_type3A_484 = tpu.bitcast %and3A_483 : vector<16xi32> -> vector<16xf32>
      %select_n3A_485 = arith.select %ge3A_467, %bitcast_convert_type3A_484, %bitcast_convert_type3A_482 : vector<16xi1>, vector<16xf32>
      %gather3A_486 = tpu.vector_load_idx %arg9[%get3A_464] : memref<10240xf32, #tpu.memory_space<vmem>>[vector<16xi32>], vector<16xf32>,
      %add3A_487 = arith.addf %gather3A_461, %gather3A_486 : vector<16xf32>
      %add3A_488 = arith.addf %select_n3A_485, %select_n3A_485 : vector<16xf32>
      %sub3A_489 = arith.subf %add3A_487, %add3A_488 : vector<16xf32>
      %swap3A_490 = arith.index_cast %add3A_458 : i32 to index
      %swap3A_491 = arith.constant 0 : index
      %swap3A_492 = tpu.vector_load %arg12[%swap3A_490, %swap3A_491] {strides = array<i32>} : memref<320x32xf32, #tpu.memory_space<vmem>>, vector<16xf32>,
      tpu.vector_store %arg12[%swap3A_490, %swap3A_491], %sub3A_489 {strides = array<i32>} : memref<320x32xf32, #tpu.memory_space<vmem>>, vector<16xf32>,
      %get3A_493 = arith.index_cast %add3A_316 : i32 to index
      %get3A_494 = arith.constant 80 : index
      %get3A_495 = tpu.vector_load %arg8[%get3A_493, %get3A_494] {strides = array<i32>} : memref<80x128xi32, #tpu.memory_space<vmem>>, vector<16xi32>,
      %broadcast_in_dim3A_496 = arith.constant 5120 : i32
      %broadcast_in_dim3A_497 = vector.broadcast %broadcast_in_dim3A_496 : i32 to vector<16xi32>
      %ge3A_498 = arith.cmpi sge, %get3A_495, %broadcast_in_dim3A_497 : vector<16xi32>
      %jit3A_499 = arith.constant 5120 : i32
      %jit3A_500 = arith.constant 0 : i32
      %broadcast_in_dim3A_501 = vector.broadcast %jit3A_499 : i32 to vector<16xi32>
      %broadcast_in_dim3A_502 = vector.broadcast %jit3A_500 : i32 to vector<16xi32>
      %select_n3A_503 = arith.select %ge3A_498, %broadcast_in_dim3A_501, %broadcast_in_dim3A_502 : vector<16xi1>, vector<16xi32>
      %sub3A_504 = arith.subi %get3A_495, %select_n3A_503 : vector<16xi32>
      %and3A_505 = arith.andi %sub3A_504, %broadcast_in_dim3A_9 : vector<16xi32>
      %add3A_506 = arith.constant 80 : i32
      %add3A_507 = vector.broadcast %add3A_506 : i32 to vector<16xi32>
      %add3A_508 = arith.addi %add3A_507, %iota3A : vector<16xi32>
      %gather3A_509 = tpu.vector_load_idx %arg11[%add3A_508, %and3A_505] : memref<128x16xi32, #tpu.memory_space<vmem>>[vector<16xi32>, vector<16xi32>], vector<16xi32>,
      %shift_left3A_510 = arith.constant 16 : i32
      %shift_left3A_511 = vector.broadcast %shift_left3A_510 : i32 to vector<16xi32>
      %shift_left3A_512 = arith.shli %gather3A_509, %shift_left3A_511 : vector<16xi32>
      %bitcast_convert_type3A_513 = tpu.bitcast %shift_left3A_512 : vector<16xi32> -> vector<16xf32>
      %and3A_514 = arith.andi %gather3A_509, %broadcast_in_dim3A_11 : vector<16xi32>
      %bitcast_convert_type3A_515 = tpu.bitcast %and3A_514 : vector<16xi32> -> vector<16xf32>
      %select_n3A_516 = arith.select %ge3A_498, %bitcast_convert_type3A_515, %bitcast_convert_type3A_513 : vector<16xi1>, vector<16xf32>
      %gather3A_517 = tpu.vector_load_idx %arg9[%get3A_495] : memref<10240xf32, #tpu.memory_space<vmem>>[vector<16xi32>], vector<16xf32>,
      %add3A_518 = arith.addf %gather3A_461, %gather3A_517 : vector<16xf32>
      %add3A_519 = arith.addf %select_n3A_516, %select_n3A_516 : vector<16xf32>
      %sub3A_520 = arith.subf %add3A_518, %add3A_519 : vector<16xf32>
      %swap3A_521 = arith.index_cast %add3A_458 : i32 to index
      %swap3A_522 = arith.constant 16 : index
      %swap3A_523 = tpu.vector_load %arg12[%swap3A_521, %swap3A_522] {strides = array<i32>} : memref<320x32xf32, #tpu.memory_space<vmem>>, vector<16xf32>,
      tpu.vector_store %arg12[%swap3A_521, %swap3A_522], %sub3A_520 {strides = array<i32>} : memref<320x32xf32, #tpu.memory_space<vmem>>, vector<16xf32>,
      %mul3A_524 = arith.constant 4 : i32
      %mul3A_525 = arith.muli %add3A_316, %mul3A_524 : i32
      %add3A_526 = arith.constant 3 : i32
      %add3A_527 = arith.addi %mul3A_525, %add3A_526 : i32
      %add3A_528 = arith.addi %mul3A_2, %add3A_527 : i32
      %broadcast_in_dim3A_529 = vector.broadcast %add3A_528 : i32 to vector<16xi32>
      %gather3A_530 = tpu.vector_load_idx %arg9[%broadcast_in_dim3A_529] : memref<10240xf32, #tpu.memory_space<vmem>>[vector<16xi32>], vector<16xf32>,
      %get3A_531 = arith.index_cast %add3A_316 : i32 to index
      %get3A_532 = arith.constant 96 : index
      %get3A_533 = tpu.vector_load %arg8[%get3A_531, %get3A_532] {strides = array<i32>} : memref<80x128xi32, #tpu.memory_space<vmem>>, vector<16xi32>,
      %broadcast_in_dim3A_534 = arith.constant 5120 : i32
      %broadcast_in_dim3A_535 = vector.broadcast %broadcast_in_dim3A_534 : i32 to vector<16xi32>
      %ge3A_536 = arith.cmpi sge, %get3A_533, %broadcast_in_dim3A_535 : vector<16xi32>
      %jit3A_537 = arith.constant 5120 : i32
      %jit3A_538 = arith.constant 0 : i32
      %broadcast_in_dim3A_539 = vector.broadcast %jit3A_537 : i32 to vector<16xi32>
      %broadcast_in_dim3A_540 = vector.broadcast %jit3A_538 : i32 to vector<16xi32>
      %select_n3A_541 = arith.select %ge3A_536, %broadcast_in_dim3A_539, %broadcast_in_dim3A_540 : vector<16xi1>, vector<16xi32>
      %sub3A_542 = arith.subi %get3A_533, %select_n3A_541 : vector<16xi32>
      %and3A_543 = arith.andi %sub3A_542, %broadcast_in_dim3A_9 : vector<16xi32>
      %add3A_544 = arith.constant 96 : i32
      %add3A_545 = vector.broadcast %add3A_544 : i32 to vector<16xi32>
      %add3A_546 = arith.addi %add3A_545, %iota3A : vector<16xi32>
      %gather3A_547 = tpu.vector_load_idx %arg11[%add3A_546, %and3A_543] : memref<128x16xi32, #tpu.memory_space<vmem>>[vector<16xi32>, vector<16xi32>], vector<16xi32>,
      %shift_left3A_548 = arith.constant 16 : i32
      %shift_left3A_549 = vector.broadcast %shift_left3A_548 : i32 to vector<16xi32>
      %shift_left3A_550 = arith.shli %gather3A_547, %shift_left3A_549 : vector<16xi32>
      %bitcast_convert_type3A_551 = tpu.bitcast %shift_left3A_550 : vector<16xi32> -> vector<16xf32>
      %and3A_552 = arith.andi %gather3A_547, %broadcast_in_dim3A_11 : vector<16xi32>
      %bitcast_convert_type3A_553 = tpu.bitcast %and3A_552 : vector<16xi32> -> vector<16xf32>
      %select_n3A_554 = arith.select %ge3A_536, %bitcast_convert_type3A_553, %bitcast_convert_type3A_551 : vector<16xi1>, vector<16xf32>
      %gather3A_555 = tpu.vector_load_idx %arg9[%get3A_533] : memref<10240xf32, #tpu.memory_space<vmem>>[vector<16xi32>], vector<16xf32>,
      %add3A_556 = arith.addf %gather3A_530, %gather3A_555 : vector<16xf32>
      %add3A_557 = arith.addf %select_n3A_554, %select_n3A_554 : vector<16xf32>
      %sub3A_558 = arith.subf %add3A_556, %add3A_557 : vector<16xf32>
      %swap3A_559 = arith.index_cast %add3A_527 : i32 to index
      %swap3A_560 = arith.constant 0 : index
      %swap3A_561 = tpu.vector_load %arg12[%swap3A_559, %swap3A_560] {strides = array<i32>} : memref<320x32xf32, #tpu.memory_space<vmem>>, vector<16xf32>,
      tpu.vector_store %arg12[%swap3A_559, %swap3A_560], %sub3A_558 {strides = array<i32>} : memref<320x32xf32, #tpu.memory_space<vmem>>, vector<16xf32>,
      %get3A_562 = arith.index_cast %add3A_316 : i32 to index
      %get3A_563 = arith.constant 112 : index
      %get3A_564 = tpu.vector_load %arg8[%get3A_562, %get3A_563] {strides = array<i32>} : memref<80x128xi32, #tpu.memory_space<vmem>>, vector<16xi32>,
      %broadcast_in_dim3A_565 = arith.constant 5120 : i32
      %broadcast_in_dim3A_566 = vector.broadcast %broadcast_in_dim3A_565 : i32 to vector<16xi32>
      %ge3A_567 = arith.cmpi sge, %get3A_564, %broadcast_in_dim3A_566 : vector<16xi32>
      %jit3A_568 = arith.constant 5120 : i32
      %jit3A_569 = arith.constant 0 : i32
      %broadcast_in_dim3A_570 = vector.broadcast %jit3A_568 : i32 to vector<16xi32>
      %broadcast_in_dim3A_571 = vector.broadcast %jit3A_569 : i32 to vector<16xi32>
      %select_n3A_572 = arith.select %ge3A_567, %broadcast_in_dim3A_570, %broadcast_in_dim3A_571 : vector<16xi1>, vector<16xi32>
      %sub3A_573 = arith.subi %get3A_564, %select_n3A_572 : vector<16xi32>
      %and3A_574 = arith.andi %sub3A_573, %broadcast_in_dim3A_9 : vector<16xi32>
      %add3A_575 = arith.constant 112 : i32
      %add3A_576 = vector.broadcast %add3A_575 : i32 to vector<16xi32>
      %add3A_577 = arith.addi %add3A_576, %iota3A : vector<16xi32>
      %gather3A_578 = tpu.vector_load_idx %arg11[%add3A_577, %and3A_574] : memref<128x16xi32, #tpu.memory_space<vmem>>[vector<16xi32>, vector<16xi32>], vector<16xi32>,
      %shift_left3A_579 = arith.constant 16 : i32
      %shift_left3A_580 = vector.broadcast %shift_left3A_579 : i32 to vector<16xi32>
      %shift_left3A_581 = arith.shli %gather3A_578, %shift_left3A_580 : vector<16xi32>
      %bitcast_convert_type3A_582 = tpu.bitcast %shift_left3A_581 : vector<16xi32> -> vector<16xf32>
      %and3A_583 = arith.andi %gather3A_578, %broadcast_in_dim3A_11 : vector<16xi32>
      %bitcast_convert_type3A_584 = tpu.bitcast %and3A_583 : vector<16xi32> -> vector<16xf32>
      %select_n3A_585 = arith.select %ge3A_567, %bitcast_convert_type3A_584, %bitcast_convert_type3A_582 : vector<16xi1>, vector<16xf32>
      %gather3A_586 = tpu.vector_load_idx %arg9[%get3A_564] : memref<10240xf32, #tpu.memory_space<vmem>>[vector<16xi32>], vector<16xf32>,
      %add3A_587 = arith.addf %gather3A_530, %gather3A_586 : vector<16xf32>
      %add3A_588 = arith.addf %select_n3A_585, %select_n3A_585 : vector<16xf32>
      %sub3A_589 = arith.subf %add3A_587, %add3A_588 : vector<16xf32>
      %swap3A_590 = arith.index_cast %add3A_527 : i32 to index
      %swap3A_591 = arith.constant 16 : index
      %swap3A_592 = tpu.vector_load %arg12[%swap3A_590, %swap3A_591] {strides = array<i32>} : memref<320x32xf32, #tpu.memory_space<vmem>>, vector<16xf32>,
      tpu.vector_store %arg12[%swap3A_590, %swap3A_591], %sub3A_589 {strides = array<i32>} : memref<320x32xf32, #tpu.memory_space<vmem>>, vector<16xf32>,
    }
    %scan3A_22 = arith.constant 40 : i32
    "tpu.region"() ({
      %run_scoped3A = tpu.sem_alloc : memref<!tpu.dma_semaphore, #tpu.memory_space<semaphore_mem>>
      %dma_start3A_23 = arith.constant 0 : i32
      %dma_start3A_24 = tpu.memref_slice %arg6[%mul3A_2, %dma_start3A_23] : memref<10240x32xf32, #tpu.memory_space<hbm>> -> memref<320x32xf32, #tpu.memory_space<hbm>>
      %dma_start3A_25 = arith.constant 0 : i32
      %dma_start3A_26 = tpu.memref_slice %arg6[%mul3A_2, %dma_start3A_25] : memref<10240x32xf32, #tpu.memory_space<hbm>> -> memref<320x32xf32, #tpu.memory_space<hbm>>
      tpu.enqueue_dma source(%arg12 : memref<320x32xf32, #tpu.memory_space<vmem>>) target(%dma_start3A_26 : memref<320x32xf32, #tpu.memory_space<hbm>>) target_semaphore(%run_scoped3A : memref<!tpu.dma_semaphore, #tpu.memory_space<semaphore_mem>>)
      %dma_wait3A = arith.constant 0 : i32
      %dma_wait3A_27 = tpu.memref_slice %arg6[%mul3A_2, %dma_wait3A] : memref<10240x32xf32, #tpu.memory_space<hbm>> -> memref<320x32xf32, #tpu.memory_space<hbm>>
      %dma_wait3A_28 = arith.constant 0 : i32
      %dma_wait3A_29 = tpu.memref_slice %arg6[%mul3A_2, %dma_wait3A_28] : memref<10240x32xf32, #tpu.memory_space<hbm>> -> memref<320x32xf32, #tpu.memory_space<hbm>>
      tpu.wait_dma2 semaphore(%run_scoped3A : memref<!tpu.dma_semaphore, #tpu.memory_space<semaphore_mem>>) src(%arg12 : memref<320x32xf32, #tpu.memory_space<vmem>>) dst(%dma_wait3A_29 : memref<320x32xf32, #tpu.memory_space<hbm>>)
      tpu.yield
    }) : () -> ()
    return
  }
}

module attributes {stable_mosaic.version = 14 : i64} {
  func.func @_tc_body(%arg0: i32, %arg1: memref<256x128xf32, #tpu.memory_space<vmem>>, %arg2: memref<10240x128xbf16, #tpu.memory_space<vmem>>, %arg3: memref<256x5120xi32, #tpu.memory_space<vmem>>, %arg4: memref<1x1x256xf32, #tpu.memory_space<vmem>>) attributes {dimension_semantics = [#tpu.dimension_semantics<arbitrary>], iteration_bounds = array<i64: 40>, scalar_prefetch = 0 : i64, scratch_operands = 0 : i64, tpu.core_type = #tpu.core_type<tc>, window_params = [{transform_indices = @transform_0, window_bounds = array<i64: 256, 128>}, {pipeline_mode = #tpu.pipeline_mode<synchronous>, transform_indices = @transform_1, window_bounds = array<i64: 10240, 128>}, {transform_indices = @transform_2, window_bounds = array<i64: 256, 5120>}, {transform_indices = @transform_3, window_bounds = array<i64: 1, 1, 256>}]} {
    %get3A = arith.constant 0 : index
    %get3A_0 = arith.constant 0 : index
    %get3A_1 = vector.load %arg1[%get3A, %get3A_0] : memref<256x128xf32, #tpu.memory_space<vmem>>, vector<256x128xf32>
    %convert_element_type3A = arith.truncf %get3A_1 : vector<256x128xf32> to vector<256x128xbf16>
    %get3A_2 = arith.constant 0 : index
    %get3A_3 = arith.constant 0 : index
    %get3A_4 = vector.load %arg2[%get3A_2, %get3A_3] : memref<10240x128xbf16, #tpu.memory_space<vmem>>, vector<10240x128xbf16>
    %dot_general3A = arith.constant dense<0.000000e+00> : vector<256x10240xf32>
    %dot_general3A_5 = tpu.matmul %convert_element_type3A, %get3A_4, %dot_general3A {dimension_numbers = #tpu.dot_dimension_numbers<[1], [1], [0], [0], [0, 0, 1, 0], [], []>, transpose_lhs_hint = false} : vector<256x128xbf16>, vector<10240x128xbf16>, vector<256x10240xf32> -> vector<256x10240xf32>
    %bitcast_convert_type3A = tpu.bitcast %dot_general3A_5 : vector<256x10240xf32> -> vector<256x10240xi32>
    %add3A = arith.constant 32768 : i32
    %add3A_6 = vector.broadcast %add3A : i32 to vector<256x10240xi32>
    %add3A_7 = arith.addi %bitcast_convert_type3A, %add3A_6 : vector<256x10240xi32>
    %slice3A = vector.extract_strided_slice %add3A_7 {offsets = [0, 0], sizes = [256, 5120], strides = [1, 1]} : vector<256x10240xi32> to vector<256x5120xi32>
    %shift_right_logical3A = arith.constant 16 : i32
    %shift_right_logical3A_8 = vector.broadcast %shift_right_logical3A : i32 to vector<256x5120xi32>
    %shift_right_logical3A_9 = arith.shrui %slice3A, %shift_right_logical3A_8 : vector<256x5120xi32>
    %slice3A_10 = vector.extract_strided_slice %add3A_7 {offsets = [0, 5120], sizes = [256, 5120], strides = [1, 1]} : vector<256x10240xi32> to vector<256x5120xi32>
    %and3A = arith.constant -65536 : i32
    %and3A_11 = vector.broadcast %and3A : i32 to vector<256x5120xi32>
    %and3A_12 = arith.andi %slice3A_10, %and3A_11 : vector<256x5120xi32>
    %or3A = arith.ori %shift_right_logical3A_9, %and3A_12 : vector<256x5120xi32>
    %swap3A = arith.constant 0 : index
    %swap3A_13 = arith.constant 0 : index
    %swap3A_14 = vector.load %arg3[%swap3A, %swap3A_13] : memref<256x5120xi32, #tpu.memory_space<vmem>>, vector<256x5120xi32>
    tpu.vector_store %arg3[%swap3A, %swap3A_13], %or3A {strides = array<i32>} : memref<256x5120xi32, #tpu.memory_space<vmem>>, vector<256x5120xi32>,
    %mul3A = arith.mulf %get3A_1, %get3A_1 : vector<256x128xf32>
    %reduce_sum3A = arith.constant dense<0.000000e+00> : vector<256xf32>
    %reduce_sum3A_15 = vector.multi_reduction <add>, %mul3A, %reduce_sum3A [1] : vector<256x128xf32> to vector<256xf32>
    %swap3A_16 = arith.constant 0 : index
    %swap3A_17 = arith.constant 0 : index
    %swap3A_18 = arith.constant 0 : index
    %swap3A_19 = vector.load %arg4[%swap3A_16, %swap3A_17, %swap3A_18] : memref<1x1x256xf32, #tpu.memory_space<vmem>>, vector<1x1x256xf32>
    %swap3A_20 = vector.shape_cast %swap3A_19 : vector<1x1x256xf32> to vector<256xf32>
    %swap3A_21 = vector.shape_cast %reduce_sum3A_15 : vector<256xf32> to vector<1x1x256xf32>
    tpu.vector_store %arg4[%swap3A_16, %swap3A_17, %swap3A_18], %swap3A_21 {strides = array<i32>} : memref<1x1x256xf32, #tpu.memory_space<vmem>>, vector<1x1x256xf32>,
    return
  }
  func.func @transform_0(%arg0: i32) -> (i32, i32) {
    %c0_i32 = arith.constant 0 : i32
    %c0_i32_0 = arith.constant 0 : i32
    return %arg0, %c0_i32 : i32, i32
  }
  func.func @transform_1(%arg0: i32) -> (i32, i32) {
    %c0_i32 = arith.constant 0 : i32
    %c0_i32_0 = arith.constant 0 : i32
    %c0_i32_1 = arith.constant 0 : i32
    return %c0_i32, %c0_i32_0 : i32, i32
  }
  func.func @transform_2(%arg0: i32) -> (i32, i32) {
    %c0_i32 = arith.constant 0 : i32
    %c0_i32_0 = arith.constant 0 : i32
    return %arg0, %c0_i32 : i32, i32
  }
  func.func @transform_3(%arg0: i32) -> (i32, i32, i32) {
    %c0_i32 = arith.constant 0 : i32
    %c0_i32_0 = arith.constant 0 : i32
    %c0_i32_1 = arith.constant 0 : i32
    return %arg0, %c0_i32, %c0_i32_0 : i32, i32, i32
  }
}

</mosaic_0001>

<sc_bundles>
// kernel: kernel.4.cloned.1.call-start
scs
__scs_entry_jumppad:
0x0: {  	(pc) =	sbr.rel $0x88, $3  }
0x1: {  	(tag) =	ssettag $0x0;
	lr =	simm.s32 $0x1  }
0x2: {  	[smem:$0x3F9F] =	sst lr;
	_ =	strace $0xD0000000  }
0x3: {  	_ = 	snop  }
0x4: {  	_ = 	snop  }
0x5: {  	_ = 	snop  }
0x6: {  	_ = 	snop  }
0x7: {  	_ = 	snop  }
__scs_overlays_trampoline_lowered:
0x8: {  	[smem:$0x3FAE] =	sst s0  }
0x9: {  	[smem:$0x3FAF] =	sst s1  }
0xa: {  	[smem:$0x3FB0] =	sst s2  }
0xb: {  	[smem:$0x3FB1] =	sst s3  }
0xc: {  	[smem:$0x3FB2] =	sst s4  }
0xd: {  	[smem:$0x3FB3] =	sst s5  }
0xe: {  	[smem:$0x3FB4] =	sst s6  }
0xf: {  	[smem:$0x3FB5] =	sst s7  }
0x10: {  	[smem:$0x3FB6] =	sst s8  }
0x11: {  	[smem:$0x3FB7] =	sst s9;
	s0 =	simm.s32 @!p0 $0x0  }
0x12: {  	s1 =	sld [smem:$0x3F9D];
	s0 =	simm.s32 @p0 $0x1  }
0x13: {  	[smem:$0x3FB8] =	sst s0;
	s0 =	simm.s32 @!p1 $0x0  }
0x14: {  	s2 =	sld [smem:$0x3F9C];
	s0 =	simm.s32 @p1 $0x1  }
0x15: {  	[smem:$0x3FB9] =	sst s0;
	s0 =	simm.s32 @!p2 $0x0  }
0x16: {  	s3 =	sld [smem:$0x3FDB];
	s0 =	simm.s32 @p2 $0x1  }
0x17: {  	s4 =	simm.s32 $0x1BF5;
	[smem:$0x3FBB] =	sst s0  }
0x18: {  	s0 =	sld [smem:$0x3F9E];
	_ =	swait.ge [sflag:s4], $0x0  }
0x19: {  	s7 =	sld [smem:$0x3F9F]  }
0x1a: {  	s8 =	sadd.s32 $0xFFFFE003, lr  }
0x1b: {  	s9 =	sadd.s32 $0xFFFFFEF7, lr;
	s5 =	simm.s32 $0xFFFFFFFF;
	p2 =	slt.u32 s8, $0xFFFFF086  }
0x1c: {  	p1 =	slt.u32 s9, $0xF7A;
	s5 =	simm.s32 @!p2 $0x0  }
0x1d: {  	s5 =	simm.s32 @p1 $0x1;
	p0 =	seq.s32 s7, s2  }
0x1e: {  	s7 =	smul.u32 @!p0 $0xF7A, s2;
	p2 =	seq.s32 @!p0 s5, $0x0  }
0x1f: {  	s9 =	smul.u32 $0xF7A, s1;
	s8 =	simm.s32 @!p0 $0x1BF5;
	p2 =	por !p2, p0  }
0x20: {  	[sflag:s8] =	ssyncset.s32 @!p0 $0xFFFFF086;
	s6 =	sadd.s32 @!p0 s3, s7;
	s7 =	simm.s32 @!p0 $0x108  }
0x21: {  	s3 =	sadd.s32 s3, s9;
	s6 =	sadd.s32 @!p0 $0x88, s6;
	s7 =	simm.s32 @p2 $0x1082  }
0x22: {  	[simem:s7], [sflag:s8] =	dma.local @!p0 [hbm:s6], $0xF7A  }
0x23: {  	s9 =	sor.u32 $0xD0000000, s2;
	s6 =	simm.s32 $0x108;
	_ =	swait.ge @!p0 [sflag:s8], $0x0  }
0x24: {  	s3 =	sadd.s32 $0x88, s3;
	s6 =	simm.s32 @!p1 $0x1082;
	[sflag:s4] =	ssyncset.s32 $0xFFFFF086  }
0x25: {  	[simem:s6], [sflag:s4] =	dma.local [hbm:s3], $0xF7A  }
0x26: {  	[smem:$0x3F9F] =	sst s1;
	(tag) =	ssettag s2;
	_ =	strace s9  }
0x27: {  	s1 =	sld [smem:$0x3FAF]  }
0x28: {  	s2 =	sld [smem:$0x3FB0]  }
0x29: {  	s4 =	sld [smem:$0x3FB2]  }
0x2a: {  	p0 =	seq.s32 s5, $0x0;
	s5 =	sld [smem:$0x3FB3]  }
0x2b: {  	s6 =	sld [smem:$0x3FB4]  }
0x2c: {  	s7 =	sld [smem:$0x3FB5]  }
0x2d: {  	s3 =	simm.s32 $0x108;
	s8 =	sld [smem:$0x3FB6]  }
0x2e: {  	s3 =	simm.s32 @!p0 $0x1082;
	s9 =	sld [smem:$0x3FB7]  }
0x2f: {  	lr =	sadd.s32 s0, s3;
	s0 =	sld [smem:$0x3FAE]  }
0x30: {  	s3 =	sld [smem:$0x3FB1]  }
0x31: {  	[smem:$0x3FBA] =	sst s10  }
0x32: {  	s10 =	sld [smem:$0x3FB8];
	_ =	sdelay $0x3  }
0x33: {  	p0 =	seq.s32 s10, $0x1;
	s10 =	sld [smem:$0x3FBA];
	_ =	sdelay $0x3  }
0x34: {  	[smem:$0x3FBA] =	sst s10  }
0x35: {  	s10 =	sld [smem:$0x3FB9];
	_ =	sdelay $0x3  }
0x36: {  	p1 =	seq.s32 s10, $0x1;
	s10 =	sld [smem:$0x3FBA];
	_ =	sdelay $0x3  }
0x37: {  	[smem:$0x3FBA] =	sst s10  }
0x38: {  	s10 =	sld [smem:$0x3FBB]  }
0x39: {  	_ = 	snop;
	(pc) =	sbr.ind lr, $3  }
0x3a: {  	_ = 	snop  }
0x3b: {  	_ = 	snop  }
0x3c: {  	p2 =	seq.s32 s10, $0x1;
	s10 =	sld [smem:$0x3FBA]  }
0x3d: {  	_ =	shalt  }
0x3e: {  	_ =	shalt  }
0x3f: {  	_ =	shalt  }
0x40: {  	_ =	shalt  }
0x41: {  	_ =	shalt  }
0x42: {  	_ =	shalt  }
0x43: {  	_ =	shalt  }
0x44: {  	_ =	shalt  }
0x45: {  	_ =	shalt  }
0x46: {  	_ =	shalt  }
0x47: {  	_ =	shalt  }
0x48: {  	_ =	shalt  }
0x49: {  	_ =	shalt  }
0x4a: {  	_ =	shalt  }
0x4b: {  	_ =	shalt  }
0x4c: {  	_ =	shalt  }
0x4d: {  	_ =	shalt  }
0x4e: {  	_ =	shalt  }
0x4f: {  	_ =	shalt  }
0x50: {  	_ =	shalt  }
0x51: {  	_ =	shalt  }
0x52: {  	_ =	shalt  }
0x53: {  	_ =	shalt  }
0x54: {  	_ =	shalt  }
0x55: {  	_ =	shalt  }
0x56: {  	_ =	shalt  }
0x57: {  	_ =	shalt  }
0x58: {  	_ =	shalt  }
0x59: {  	_ =	shalt  }
0x5a: {  	_ =	shalt  }
0x5b: {  	_ =	shalt  }
0x5c: {  	_ =	shalt  }
0x5d: {  	_ =	shalt  }
0x5e: {  	_ =	shalt  }
0x5f: {  	_ =	shalt  }
0x60: {  	_ =	shalt  }
0x61: {  	_ =	shalt  }
0x62: {  	_ =	shalt  }
0x63: {  	_ =	shalt  }
0x64: {  	_ =	shalt  }
0x65: {  	_ =	shalt  }
0x66: {  	_ =	shalt  }
0x67: {  	_ =	shalt  }
0x68: {  	_ =	shalt  }
0x69: {  	_ =	shalt  }
0x6a: {  	_ =	shalt  }
0x6b: {  	_ =	shalt  }
0x6c: {  	_ =	shalt  }
0x6d: {  	_ =	shalt  }
0x6e: {  	_ =	shalt  }
0x6f: {  	_ =	shalt  }
0x70: {  	_ =	shalt  }
0x71: {  	_ =	shalt  }
0x72: {  	_ =	shalt  }
0x73: {  	_ =	shalt  }
0x74: {  	_ =	shalt  }
0x75: {  	_ =	shalt  }
0x76: {  	_ =	shalt  }
0x77: {  	_ =	shalt  }
0x78: {  	_ =	shalt  }
0x79: {  	_ =	shalt  }
0x7a: {  	_ =	shalt  }
0x7b: {  	_ =	shalt  }
0x7c: {  	_ =	shalt  }
0x7d: {  	_ =	shalt  }
0x7e: {  	_ =	shalt  }
0x7f: {  	_ =	shalt  }
0x80: {  	_ =	shalt  }
0x81: {  	_ =	shalt  }
0x82: {  	_ =	shalt  }
0x83: {  	_ =	shalt  }
0x84: {  	_ =	shalt  }
0x85: {  	_ =	shalt  }
0x86: {  	_ =	shalt  }
0x87: {  	_ =	shalt  }
.Lfunc_end0:
.L_simem_size_0:
called_computation.1_lowered:
.L_overlay_start_0:
0x88: {  	s2 =	sld [smem:$0x3FD9]  }
0x89: {  	s3 =	sld [smem:$0x3FFE];
	_ =	sdelay $0x1  }
0x8a: {  	s1 =	srdreg.scid  }
0x8b: {  	s0 =	sand.u32 $0x1, s1  }
0x8c: {  	s17 =	sshll.u32 s0, $0xA;
	s2 =	sadd.s32 s3, s2  }
0x8d: {  	s2 =	sadd.s32 s2, s17  }
0x8e: {  	[smem:$0x3FC6] =	sst s2  }
0x8f: {  	_ = 	snop  }
0x90: {  	s2 =	sld [smem:$0x3FD0];
	(tm) =	ssettm $0x1  }
0x91: {  	s18 =	sld [smem:$0x3FFB];
	_ =	sdelay $0x3  }
0x92: {  	_ =	strace s18  }
0x93: {  	s3 =	sld [smem:$0x3FFC];
	_ =	sdelay $0x3  }
0x94: {  	_ =	strace s3  }
0x95: {  	s3 =	sld [smem:$0x3FFD];
	_ =	sdelay $0x3  }
0x96: {  	_ =	strace s3  }
0x97: {  	_ =	strace $0x8FFFFFFF  }
0x98: {  	s19 =	sld [smem:$0x3FDB];
	_ =	sdelay $0x1  }
0x99: {  	s4 =	simm.s32 $_scs_section_size  }
0x9a: {  	s5 =	simm.s32 $_size__tile_overlayer_lowered;
	s6 =	simm.s32 $_tile_overlayer_lowered  }
0x9b: {  	s22 =	simm.s32 $0x1BFF;
	s21 =	sshll.u32 s6, $0x1;
	s3 =	sadd.s32 s4, s19  }
0x9c: {  	s7 =	simm.s32 $0x0;
	s20 =	sshll.u32 s5, $0x1;
	s5 =	sadd.s32 s21, s3  }
0x9d: {  	[timem:s7], [sflag:s22] =	dma.local [hbm:s5], s20  }
0x9e: {  	_ =	swait.ge [sflag:s22], s20  }
0x9f: {  	s4 =	ssub.s32 $0x0, s20;
	[sflag:s22] =	ssyncset.done $0x0  }
0xa0: {  	[sflag:s22] =	ssyncadd.s32 s4;
	_ =	sdelay $0x1  }
0xa1: {  	s23 =	simm.s32 $0x1B8B  }
0xa2: {  	_ =	swait.ge [sflag:s23], $0x1  }
0xa3: {  	[sflag:s23] =	ssyncset.done $0x0  }
0xa4: {  	s25 =	simm.s32 $0x1B8E;
	s24 =	sld [smem:$0x3FFE];
	[sflag:s23] =	ssyncadd.s32 $0xFFFFFFFF  }
0xa5: {  	s26 =	simm.s32 $execute0_lowered;
	[smem:$0x3FD2] =	sst s25  }
0xa6: {  	s5 =	sshll.u32 s26, $0x1;
	_ =	strace $0x80000049;
	[dreg:$0x1] =	wrdreg $0xFFFFFFFF  }
0xa7: {  	s28 =	simm.s32 $_size_execute0_lowered;
	s3 =	sadd.s32 s3, s5;
	[dreg:$0x0] =	wrdreg $0x0  }
0xa8: {  	s5 =	sshll.u32 s28, $0x1;
	[dreg:$0x2] =	wrdreg s3  }
0xa9: {  	[dreg:$0x3] =	wrdreg s5  }
0xaa: {  	[dreg:$0x4] =	wrdreg $0xC0  }
0xab: {  	_ =	task [dreg:s7], $0x5FFFF  }
0xac: {  	[dreg:$0x1] =	wrdreg $0xFFFFFFFF  }
0xad: {  	[dreg:$0x0] =	wrdreg $0x60  }
0xae: {  	[dreg:$0x2] =	wrdreg s24  }
0xaf: {  	[dreg:$0x3] =	wrdreg s2  }
0xb0: {  	[dreg:$0x4] =	wrdreg $0x9  }
0xb1: {  	_ =	task.clear_ibuf [dreg:s7], $0x5FFFF;
	_ =	strace $0x90000049  }
0xb2: {  	s29 =	simm.s32 $0x9;
	_ =	strace $0x8000004B  }
0xb3: {  	_ =	swait.ge [sflag:s29], $0x1  }
0xb4: {  	[sflag:s29] =	ssyncadd.s32 $0xFFFFFFFF  }
0xb5: {  	_ =	strace $0x9000004B  }
0xb6: {  	_ =	sfence  }
0xb7: {  	s30 =	sld [smem:$0x0];
	_ =	sdelay $0x2  }
0xb8: {  	s31 =	sshll.u32 s1, $0xD;
	s1 =	sshrl.u32 s1, $0x2  }
0xb9: {  	s3 =	sand.u32 $0x4000, s31;
	s1 =	sadd.s32 s1, s30  }
0xba: {  	s0 =	sor.u32 s3, s0;
	s1 =	sshll.u32 s1, $0x11  }
0xbb: {  	s0 =	sor.u32 s1, s0  }
0xbc: {  	s0 =	sadd.s32 $0x8F2B, s0  }
0xbd: {  	[sflag:s0] =	ssyncadd.remote.s32 $0x1  }
0xbe: {  	_ =	sfence.sel $0xFFFF  }
0xbf: {  	[dreg:$0x0] =	wrdreg $0xFFFFFFFF;
	(pc) =	sbr.abs _section_cstart, $3  }
0xc0: {  	[dreg:$0x1] =	wrdreg $0xFFFFFFFF  }
0xc1: {  	_ =	task.clear_ibuf [dreg:s7], $0x2FFFF;
	_ =	strace $0x9FFFFFFF  }
0xc2: {  	(tm) =	ssettm $0x7FFFFFFF  }
0xc3: {  	_ =	shalt  }
tec
execute0_lowered:
.L_overlay_start_1:
0x0: {  	(tag) =	ssettag $0x1  }
0x1: {  	s5 =	rddreg [dreg:$0x0]  }
0x2: {  	s2 =	rddreg [dreg:$0x1]  }
0x3: {  	s0 =	rddreg [dreg:$0x2];
	s4 =	srdreg.scid  }
0x4: {  	s1 =	stileid.u32;
	s3 =	simm.s32 $0x0;
	s11 =	simm.s32 $0x2800  }
0x5: {  	s12 =	simm.s32 $0x5000;
	s13 =	simm.s32 $0x80;
	s14 =	simm.s32 $0x7800  }
0x6: {  	s15 =	simm.s32 $0x8000;
	s16 =	simm.s32 $0x1;
	s17 =	simm.s32 $0x2  }
0x7: {  	s18 =	simm.s32 $0x8800;
	s19 =	simm.s32 $0x0;
	s6 =	sand.u32 $0x1, s4  }
0x8: {  	v0 =	vlaneseq.u32;
	s30 =	sshll.u32 s1, $0x1;
	[smem:$0x7FF] =	sst s3;
	s10 =	smul.u32 $0x280, s1  }
0x9: {  	v0 =	vmul.u32 $0x10, v0;
	s4 =	sor.u32 s6, s30;
	s8 =	ssub.s32 $0x2, s6;
	s31 =	smul.u32 $0x140, s6  }
0xa: {  	v1 =	vimm.s32 $0x0;
	_ =	strace $0x8000004A;
	s7 =	smul.u32 $0x500, s4;
	s9 =	sshrl.u32 s8, $0x1  }
0xb: {  	vm0 =	vcmask $0x300;
	s4 =	sadd.s32 $0x641200, s5;
	v2 =	vor.u32 $0x100, v0;
	v3 =	vor.u32 $0x200, v0;
	s8 =	ssub.s32 s8, s9;
	s9 =	sadd.s32 s31, s10  }
0xc: {  	v4 =	vor.u32 $0x300, v0;
	v5 =	vor.u32 $0x400, v0;
	v6 =	vor.u32 $0x500, v0;
	s10 =	simm.s32 $0x3;
	s7 =	sadd.s32 s7, s5;
	s8 =	smax.u32 s8, $0x1  }
0xd: {  	v1 =	vsel vm0, $0x3, v1;
	v7 =	vor.u32 $0x600, v0;
	v8 =	vor.u32 $0x700, v0;
	s5 =	sadd.s32 $0xC8B200, s7;
	s6 =	sadd.s32 $0xC81200, s7;
	s7 =	sadd.s32 $0x1200, s7  }
.LBB2_1:
0xe: {  	[tilespmem:s3], [sflag:$0x3] =	stream.linear.gather [hbm4b:s5+s3], $0x2800, $0x38;
	[tilespmem:$0xB000] =	vst v63  }
0xf: {  	_ =	swait.ge [sflag:s10], $0x2800  }
0x10: {  	[sflag:s10] =	ssyncset.done $0x0  }
0x11: {  	[sflag:s10] =	ssyncadd.s32 $0xFFFFD800  }
0x12: {  	[tilespmem:s11], [sflag:$0x3] =	stream.linear.gather [hbm4b:s6+s3], $0x2800, $0x38;
	[tilespmem:$0xB000] =	vst v63  }
0x13: {  	_ =	swait.ge [sflag:s10], $0x2800  }
0x14: {  	[sflag:s10] =	ssyncset.done $0x0  }
0x15: {  	[sflag:s10] =	ssyncadd.s32 $0xFFFFD800  }
0x16: {  	[tilespmem:s12], [sflag:$0x3] =	stream.linear.gather [hbm4b:s2+s3], $0x2800, $0x38;
	[tilespmem:$0xB000] =	vst v63  }
0x17: {  	_ =	swait.ge [sflag:s10], $0x2800  }
0x18: {  	s20 =	simm.s32 $0x100;
	s21 =	simm.s32 $0x8880;
	[sflag:s10] =	ssyncset.done $0x0  }
0x19: {  	s22 =	simm.s32 $0x2880;
	s23 =	simm.s32 $0x0;
	[sflag:s10] =	ssyncadd.s32 $0xFFFFD800  }
0x1a: {  	[tilespmem:s14], [sflag:$0x1] =	stream.indirect.gather [hbm4b:s4+s13], $0x10, s3, s13, $0xb8;
	[tilespmem:$0xB000] =	vst v63  }
.LBB2_2:
0x1b: {  	s24 =	sadd.s32 $0xFFFFFF80, s20  }
0x1c: {  	[tilespmem:s15], [sflag:$0x2] =	stream.indirect.gather [hbm4b:s4+s13], $0x10, s24, s13, $0xb8;
	[tilespmem:$0xB000] =	vst v63  }
0x1d: {  	_ =	swait.ge [sflag:s16], $0x800  }
0x1e: {  	[sflag:s16] =	ssyncset.done $0x0  }
0x1f: {  	[sflag:s16] =	ssyncadd.s32 $0xFFFFF800  }
0x20: {  	v9 =	vld [tilespmem:s22+$0xFFFFFF80];
	_ =	sdelay $0x1  }
0x21: {  	s24 =	sadd.s32 s23, s9  }
0x22: {  	v10 =	vmov s24  }
0x23: {  	v10 =	vshrl.u32 v10, $0x3  }
0x24: {  	v10 =	vshll.u32 v10, v1;
	v11 =	vand.u32 $0xF, v9  }
0x25: {  	v10 =	vbroadcast v10, $0x0;
	v11 =	vor.u32 v0, v11;
	_ =	sdelay $0x4  }
0x26: {  	v11 =	vld.idx.msk [tilespmem:v11+s14+$0x0], $0xffff  }
0x27: {  	v10 =	vld.idx.msk [tilespmem:v10+s12+$0x0], $0xffff  }
0x28: {  	v12 =	vld.idx.msk [tilespmem:v9+s12+$0x0], $0xffff;
	_ =	sdelay $0x2  }
0x29: {  	vm0 =	vgt.s32 v9, $0x13FF;
	v9 =	vshll.u32 v11, $0x10;
	v11 =	vand.u32 $0xFFFF0000, v11  }
0x2a: {  	v9 =	vsel vm0, v11, v9  }
0x2b: {  	v11 =	vadd.f32 v12, v10;
	v9 =	vadd.f32 v9, v9;
	_ =	sdelay $0x1  }
0x2c: {  	v9 =	vsub.f32 v11, v9;
	_ =	sdelay $0x1  }
0x2d: {  	[tilespmem:s21+$0xFFFFFF80] =	vst v9  }
0x2e: {  	v9 =	vld [tilespmem:s22+$0xFFFFFF90];
	_ =	sdelay $0x4  }
0x2f: {  	v11 =	vand.u32 $0xF, v9  }
0x30: {  	v11 =	vor.u32 v2, v11;
	_ =	sdelay $0x4  }
0x31: {  	v11 =	vld.idx.msk [tilespmem:v11+s14+$0x0], $0xffff;
	_ =	sdelay $0x1  }
0x32: {  	v49 =	vld.idx.msk [tilespmem:v9+s12+$0x0], $0xffff;
	_ =	sdelay $0x2  }
0x33: {  	vm13 =	vgt.s32 v9, $0x13FF;
	v9 =	vshll.u32 v11, $0x10;
	v11 =	vand.u32 $0xFFFF0000, v11  }
0x34: {  	v9 =	vsel vm13, v11, v9  }
0x35: {  	v10 =	vadd.f32 v49, v10;
	v9 =	vadd.f32 v9, v9;
	_ =	sdelay $0x1  }
0x36: {  	v9 =	vsub.f32 v10, v9;
	_ =	sdelay $0x1  }
0x37: {  	[tilespmem:s21+$0xFFFFFF90] =	vst v9  }
0x38: {  	v9 =	vld [tilespmem:s22+$0xFFFFFFA0]  }
0x39: {  	s25 =	sadd.s32 $0x1, s24  }
0x3a: {  	v10 =	vmov s25  }
0x3b: {  	v10 =	vshrl.u32 v10, $0x3  }
0x3c: {  	v10 =	vshll.u32 v10, v1  }
0x3d: {  	v10 =	vadd.s32 $0x1, v10;
	v11 =	vand.u32 $0xF, v9  }
0x3e: {  	v10 =	vbroadcast v10, $0x0;
	v11 =	vor.u32 v3, v11;
	_ =	sdelay $0x4  }
0x3f: {  	v11 =	vld.idx.msk [tilespmem:v11+s14+$0x0], $0xffff  }
0x40: {  	v10 =	vld.idx.msk [tilespmem:v10+s12+$0x0], $0xffff  }
0x41: {  	v50 =	vld.idx.msk [tilespmem:v9+s12+$0x0], $0xffff;
	_ =	sdelay $0x2  }
0x42: {  	vm14 =	vgt.s32 v9, $0x13FF;
	v9 =	vshll.u32 v11, $0x10;
	v11 =	vand.u32 $0xFFFF0000, v11  }
0x43: {  	v9 =	vsel vm14, v11, v9  }
0x44: {  	v11 =	vadd.f32 v50, v10;
	v9 =	vadd.f32 v9, v9;
	_ =	sdelay $0x1  }
0x45: {  	v9 =	vsub.f32 v11, v9;
	_ =	sdelay $0x1  }
0x46: {  	[tilespmem:s21+$0xFFFFFFA0] =	vst v9  }
0x47: {  	v9 =	vld [tilespmem:s22+$0xFFFFFFB0];
	_ =	sdelay $0x4  }
0x48: {  	v11 =	vand.u32 $0xF, v9  }
0x49: {  	v11 =	vor.u32 v4, v11;
	_ =	sdelay $0x4  }
0x4a: {  	v11 =	vld.idx.msk [tilespmem:v11+s14+$0x0], $0xffff;
	_ =	sdelay $0x1  }
0x4b: {  	v51 =	vld.idx.msk [tilespmem:v9+s12+$0x0], $0xffff;
	_ =	sdelay $0x2  }
0x4c: {  	vm15 =	vgt.s32 v9, $0x13FF;
	v9 =	vshll.u32 v11, $0x10;
	v11 =	vand.u32 $0xFFFF0000, v11  }
0x4d: {  	v9 =	vsel vm15, v11, v9  }
0x4e: {  	v10 =	vadd.f32 v51, v10;
	v9 =	vadd.f32 v9, v9;
	_ =	sdelay $0x1  }
0x4f: {  	v9 =	vsub.f32 v10, v9;
	_ =	sdelay $0x1  }
0x50: {  	[tilespmem:s21+$0xFFFFFFB0] =	vst v9  }
0x51: {  	v9 =	vld [tilespmem:s22+$0xFFFFFFC0]  }
0x52: {  	s26 =	sadd.s32 $0x2, s24  }
0x53: {  	v10 =	vmov s26  }
0x54: {  	v10 =	vshrl.u32 v10, $0x3  }
0x55: {  	v10 =	vshll.u32 v10, v1  }
0x56: {  	v10 =	vadd.s32 $0x2, v10;
	v11 =	vand.u32 $0xF, v9  }
0x57: {  	v10 =	vbroadcast v10, $0x0;
	v11 =	vor.u32 v5, v11;
	_ =	sdelay $0x4  }
0x58: {  	v11 =	vld.idx.msk [tilespmem:v11+s14+$0x0], $0xffff  }
0x59: {  	v10 =	vld.idx.msk [tilespmem:v10+s12+$0x0], $0xffff  }
0x5a: {  	v52 =	vld.idx.msk [tilespmem:v9+s12+$0x0], $0xffff;
	_ =	sdelay $0x2  }
0x5b: {  	vm4 =	vgt.s32 v9, $0x13FF;
	v9 =	vshll.u32 v11, $0x10;
	v11 =	vand.u32 $0xFFFF0000, v11  }
0x5c: {  	v9 =	vsel vm4, v11, v9  }
0x5d: {  	v11 =	vadd.f32 v52, v10;
	v9 =	vadd.f32 v9, v9;
	_ =	sdelay $0x1  }
0x5e: {  	v9 =	vsub.f32 v11, v9;
	_ =	sdelay $0x1  }
0x5f: {  	[tilespmem:s21+$0xFFFFFFC0] =	vst v9  }
0x60: {  	v9 =	vld [tilespmem:s22+$0xFFFFFFD0];
	_ =	sdelay $0x4  }
0x61: {  	v11 =	vand.u32 $0xF, v9  }
0x62: {  	v11 =	vor.u32 v6, v11;
	_ =	sdelay $0x4  }
0x63: {  	v11 =	vld.idx.msk [tilespmem:v11+s14+$0x0], $0xffff;
	_ =	sdelay $0x1  }
0x64: {  	v53 =	vld.idx.msk [tilespmem:v9+s12+$0x0], $0xffff;
	_ =	sdelay $0x2  }
0x65: {  	vm5 =	vgt.s32 v9, $0x13FF;
	v9 =	vshll.u32 v11, $0x10;
	v11 =	vand.u32 $0xFFFF0000, v11  }
0x66: {  	v9 =	vsel vm5, v11, v9  }
0x67: {  	v10 =	vadd.f32 v53, v10;
	v9 =	vadd.f32 v9, v9;
	_ =	sdelay $0x1  }
0x68: {  	v9 =	vsub.f32 v10, v9;
	_ =	sdelay $0x1  }
0x69: {  	[tilespmem:s21+$0xFFFFFFD0] =	vst v9  }
0x6a: {  	v9 =	vld [tilespmem:s22+$0xFFFFFFE0]  }
0x6b: {  	s28 =	sadd.s32 $0x3, s24  }
0x6c: {  	v10 =	vmov s28  }
0x6d: {  	v10 =	vshrl.u32 v10, $0x3  }
0x6e: {  	v10 =	vshll.u32 v10, v1  }
0x6f: {  	v10 =	vadd.s32 $0x3, v10;
	v11 =	vand.u32 $0xF, v9  }
0x70: {  	v10 =	vbroadcast v10, $0x0;
	v11 =	vor.u32 v7, v11;
	_ =	sdelay $0x4  }
0x71: {  	v11 =	vld.idx.msk [tilespmem:v11+s14+$0x0], $0xffff  }
0x72: {  	v10 =	vld.idx.msk [tilespmem:v10+s12+$0x0], $0xffff  }
0x73: {  	v54 =	vld.idx.msk [tilespmem:v9+s12+$0x0], $0xffff;
	_ =	sdelay $0x2  }
0x74: {  	vm6 =	vgt.s32 v9, $0x13FF;
	v9 =	vshll.u32 v11, $0x10;
	v11 =	vand.u32 $0xFFFF0000, v11  }
0x75: {  	v9 =	vsel vm6, v11, v9  }
0x76: {  	v11 =	vadd.f32 v54, v10;
	v9 =	vadd.f32 v9, v9;
	_ =	sdelay $0x1  }
0x77: {  	v9 =	vsub.f32 v11, v9;
	_ =	sdelay $0x1  }
0x78: {  	[tilespmem:s21+$0xFFFFFFE0] =	vst v9  }
0x79: {  	v9 =	vld [tilespmem:s22+$0xFFFFFFF0];
	_ =	sdelay $0x4  }
0x7a: {  	v11 =	vand.u32 $0xF, v9  }
0x7b: {  	v11 =	vor.u32 v8, v11;
	_ =	sdelay $0x4  }
0x7c: {  	v11 =	vld.idx.msk [tilespmem:v11+s14+$0x0], $0xffff;
	_ =	sdelay $0x1  }
0x7d: {  	v55 =	vld.idx.msk [tilespmem:v9+s12+$0x0], $0xffff;
	_ =	sdelay $0x2  }
0x7e: {  	vm7 =	vgt.s32 v9, $0x13FF;
	v9 =	vshll.u32 v11, $0x10;
	v11 =	vand.u32 $0xFFFF0000, v11  }
0x7f: {  	v9 =	vsel vm7, v11, v9  }
0x80: {  	v10 =	vadd.f32 v55, v10;
	v9 =	vadd.f32 v9, v9;
	_ =	sdelay $0x1  }
0x81: {  	v9 =	vsub.f32 v10, v9  }
0x82: {  	p0 =	seq.s32 s23, $0x138  }
0x83: {  	s25 =	simm.s32 @!p0 $0x80;
	s26 =	simm.s32 @!p0 $0x7800;
	[tilespmem:s21+$0xFFFFFFF0] =	vst v9  }
0x84: {  	[tilespmem:s26], [sflag:$0x1] =	stream.indirect.gather @!p0 [hbm4b:s4+s25], $0x10, s20, s25, $0xb8;
	[tilespmem:$0xB000] =	vst v63  }
0x85: {  	_ =	swait.ge [sflag:s17], $0x800  }
0x86: {  	[sflag:s17] =	ssyncset.done $0x0  }
0x87: {  	[sflag:s17] =	ssyncadd.s32 $0xFFFFF800  }
0x88: {  	v9 =	vld [tilespmem:s22+$0x0]  }
0x89: {  	s29 =	sadd.s32 $0x4, s24  }
0x8a: {  	v10 =	vmov s29  }
0x8b: {  	v10 =	vshrl.u32 v10, $0x3  }
0x8c: {  	v10 =	vshll.u32 v10, v1  }
0x8d: {  	v10 =	vadd.s32 $0x4, v10;
	v11 =	vand.u32 $0xF, v9  }
0x8e: {  	v10 =	vbroadcast v10, $0x0;
	v11 =	vor.u32 v0, v11;
	_ =	sdelay $0x4  }
0x8f: {  	v11 =	vld.idx.msk [tilespmem:v11+s15+$0x0], $0xffff  }
0x90: {  	v10 =	vld.idx.msk [tilespmem:v10+s12+$0x0], $0xffff  }
0x91: {  	v56 =	vld.idx.msk [tilespmem:v9+s12+$0x0], $0xffff;
	_ =	sdelay $0x2  }
0x92: {  	vm8 =	vgt.s32 v9, $0x13FF;
	v9 =	vshll.u32 v11, $0x10;
	v11 =	vand.u32 $0xFFFF0000, v11  }
0x93: {  	v9 =	vsel vm8, v11, v9  }
0x94: {  	v11 =	vadd.f32 v56, v10;
	v9 =	vadd.f32 v9, v9;
	_ =	sdelay $0x1  }
0x95: {  	v9 =	vsub.f32 v11, v9;
	_ =	sdelay $0x1  }
0x96: {  	[tilespmem:s21+$0x0] =	vst v9  }
0x97: {  	v9 =	vld [tilespmem:s22+$0x10];
	_ =	sdelay $0x4  }
0x98: {  	v11 =	vand.u32 $0xF, v9  }
0x99: {  	v11 =	vor.u32 v2, v11;
	_ =	sdelay $0x4  }
0x9a: {  	v11 =	vld.idx.msk [tilespmem:v11+s15+$0x0], $0xffff;
	_ =	sdelay $0x1  }
0x9b: {  	v57 =	vld.idx.msk [tilespmem:v9+s12+$0x0], $0xffff;
	_ =	sdelay $0x2  }
0x9c: {  	vm9 =	vgt.s32 v9, $0x13FF;
	v9 =	vshll.u32 v11, $0x10;
	v11 =	vand.u32 $0xFFFF0000, v11  }
0x9d: {  	v9 =	vsel vm9, v11, v9  }
0x9e: {  	v10 =	vadd.f32 v57, v10;
	v9 =	vadd.f32 v9, v9;
	_ =	sdelay $0x1  }
0x9f: {  	v9 =	vsub.f32 v10, v9;
	_ =	sdelay $0x1  }
0xa0: {  	[tilespmem:s21+$0x10] =	vst v9  }
0xa1: {  	v9 =	vld [tilespmem:s22+$0x20]  }
0xa2: {  	s30 =	sadd.s32 $0x5, s24  }
0xa3: {  	v10 =	vmov s30  }
0xa4: {  	v10 =	vshrl.u32 v10, $0x3  }
0xa5: {  	v10 =	vshll.u32 v10, v1  }
0xa6: {  	v10 =	vadd.s32 $0x5, v10;
	v11 =	vand.u32 $0xF, v9  }
0xa7: {  	v10 =	vbroadcast v10, $0x0;
	v11 =	vor.u32 v3, v11;
	_ =	sdelay $0x4  }
0xa8: {  	v11 =	vld.idx.msk [tilespmem:v11+s15+$0x0], $0xffff  }
0xa9: {  	v10 =	vld.idx.msk [tilespmem:v10+s12+$0x0], $0xffff  }
0xaa: {  	v58 =	vld.idx.msk [tilespmem:v9+s12+$0x0], $0xffff;
	_ =	sdelay $0x2  }
0xab: {  	vm10 =	vgt.s32 v9, $0x13FF;
	v9 =	vshll.u32 v11, $0x10;
	v11 =	vand.u32 $0xFFFF0000, v11  }
0xac: {  	v9 =	vsel vm10, v11, v9  }
0xad: {  	v11 =	vadd.f32 v58, v10;
	v9 =	vadd.f32 v9, v9;
	_ =	sdelay $0x1  }
0xae: {  	v9 =	vsub.f32 v11, v9;
	_ =	sdelay $0x1  }
0xaf: {  	[tilespmem:s21+$0x20] =	vst v9  }
0xb0: {  	v9 =	vld [tilespmem:s22+$0x30];
	_ =	sdelay $0x4  }
0xb1: {  	v11 =	vand.u32 $0xF, v9  }
0xb2: {  	v11 =	vor.u32 v4, v11;
	_ =	sdelay $0x4  }
0xb3: {  	v11 =	vld.idx.msk [tilespmem:v11+s15+$0x0], $0xffff;
	_ =	sdelay $0x1  }
0xb4: {  	v59 =	vld.idx.msk [tilespmem:v9+s12+$0x0], $0xffff;
	_ =	sdelay $0x2  }
0xb5: {  	vm11 =	vgt.s32 v9, $0x13FF;
	v9 =	vshll.u32 v11, $0x10;
	v11 =	vand.u32 $0xFFFF0000, v11  }
0xb6: {  	v9 =	vsel vm11, v11, v9  }
0xb7: {  	v10 =	vadd.f32 v59, v10;
	v9 =	vadd.f32 v9, v9;
	_ =	sdelay $0x1  }
0xb8: {  	v9 =	vsub.f32 v10, v9;
	_ =	sdelay $0x1  }
0xb9: {  	[tilespmem:s21+$0x30] =	vst v9  }
0xba: {  	v9 =	vld [tilespmem:s22+$0x40]  }
0xbb: {  	s31 =	sadd.s32 $0x6, s24  }
0xbc: {  	v10 =	vmov s31  }
0xbd: {  	v10 =	vshrl.u32 v10, $0x3  }
0xbe: {  	v10 =	vshll.u32 v10, v1  }
0xbf: {  	v10 =	vadd.s32 $0x6, v10;
	v11 =	vand.u32 $0xF, v9  }
0xc0: {  	v10 =	vbroadcast v10, $0x0;
	v11 =	vor.u32 v5, v11;
	_ =	sdelay $0x4  }
0xc1: {  	v11 =	vld.idx.msk [tilespmem:v11+s15+$0x0], $0xffff  }
0xc2: {  	v10 =	vld.idx.msk [tilespmem:v10+s12+$0x0], $0xffff  }
0xc3: {  	v60 =	vld.idx.msk [tilespmem:v9+s12+$0x0], $0xffff;
	_ =	sdelay $0x2  }
0xc4: {  	vm12 =	vgt.s32 v9, $0x13FF;
	v9 =	vshll.u32 v11, $0x10;
	v11 =	vand.u32 $0xFFFF0000, v11  }
0xc5: {  	v9 =	vsel vm12, v11, v9  }
0xc6: {  	v11 =	vadd.f32 v60, v10;
	v9 =	vadd.f32 v9, v9;
	_ =	sdelay $0x1  }
0xc7: {  	v9 =	vsub.f32 v11, v9;
	_ =	sdelay $0x1  }
0xc8: {  	[tilespmem:s21+$0x40] =	vst v9  }
0xc9: {  	v9 =	vld [tilespmem:s22+$0x50];
	_ =	sdelay $0x4  }
0xca: {  	v11 =	vand.u32 $0xF, v9  }
0xcb: {  	v11 =	vor.u32 v6, v11;
	_ =	sdelay $0x4  }
0xcc: {  	v11 =	vld.idx.msk [tilespmem:v11+s15+$0x0], $0xffff;
	_ =	sdelay $0x1  }
0xcd: {  	v61 =	vld.idx.msk [tilespmem:v9+s12+$0x0], $0xffff;
	_ =	sdelay $0x2  }
0xce: {  	vm13 =	vgt.s32 v9, $0x13FF;
	v9 =	vshll.u32 v11, $0x10;
	v11 =	vand.u32 $0xFFFF0000, v11  }
0xcf: {  	v9 =	vsel vm13, v11, v9  }
0xd0: {  	v10 =	vadd.f32 v61, v10;
	v9 =	vadd.f32 v9, v9;
	_ =	sdelay $0x1  }
0xd1: {  	v9 =	vsub.f32 v10, v9;
	_ =	sdelay $0x1  }
0xd2: {  	[tilespmem:s21+$0x50] =	vst v9  }
0xd3: {  	v9 =	vld [tilespmem:s22+$0x60]  }
0xd4: {  	s24 =	sadd.s32 $0x7, s24  }
0xd5: {  	v10 =	vmov s24  }
0xd6: {  	v10 =	vshrl.u32 v10, $0x3  }
0xd7: {  	v10 =	vshll.u32 v10, v1  }
0xd8: {  	v10 =	vadd.s32 $0x7, v10;
	v11 =	vand.u32 $0xF, v9  }
0xd9: {  	v10 =	vbroadcast v10, $0x0;
	v11 =	vor.u32 v7, v11;
	_ =	sdelay $0x4  }
0xda: {  	v11 =	vld.idx.msk [tilespmem:v11+s15+$0x0], $0xffff  }
0xdb: {  	v10 =	vld.idx.msk [tilespmem:v10+s12+$0x0], $0xffff  }
0xdc: {  	v62 =	vld.idx.msk [tilespmem:v9+s12+$0x0], $0xffff;
	_ =	sdelay $0x2  }
0xdd: {  	vm14 =	vgt.s32 v9, $0x13FF;
	v9 =	vshll.u32 v11, $0x10;
	v11 =	vand.u32 $0xFFFF0000, v11  }
0xde: {  	v9 =	vsel vm14, v11, v9  }
0xdf: {  	v11 =	vadd.f32 v62, v10;
	v9 =	vadd.f32 v9, v9;
	_ =	sdelay $0x1  }
0xe0: {  	v9 =	vsub.f32 v11, v9;
	_ =	sdelay $0x1  }
0xe1: {  	[tilespmem:s21+$0x60] =	vst v9  }
0xe2: {  	v9 =	vld [tilespmem:s22+$0x70];
	_ =	sdelay $0x4  }
0xe3: {  	v11 =	vand.u32 $0xF, v9  }
0xe4: {  	v11 =	vor.u32 v8, v11;
	_ =	sdelay $0x4  }
0xe5: {  	v11 =	vld.idx.msk [tilespmem:v11+s15+$0x0], $0xffff;
	_ =	sdelay $0x1  }
0xe6: {  	v63 =	vld.idx.msk [tilespmem:v9+s12+$0x0], $0xffff;
	_ =	sdelay $0x2  }
0xe7: {  	s23 =	sadd.s32 $0x8, s23;
	vm15 =	vgt.s32 v9, $0x13FF;
	v9 =	vshll.u32 v11, $0x10;
	v11 =	vand.u32 $0xFFFF0000, v11  }
0xe8: {  	p0 =	sne.s32 s23, $0x140;
	v9 =	vsel vm15, v11, v9  }
.Ltmp0:
0xe9: {  	v10 =	vadd.f32 v63, v10;
	v9 =	vadd.f32 v9, v9;
	(pc) =	sbr.rel @p0 .LBB2_2-.Ltmp0, $3  }
0xea: {  	_ = 	snop  }
0xeb: {  	v9 =	vsub.f32 v10, v9;
	_ =	sdelay $0x1  }
0xec: {  	s20 =	sadd.s32 $0x100, s20;
	s22 =	sadd.s32 $0x100, s22;
	[tilespmem:s21+$0x70] =	vst v9;
	s21 =	sadd.s32 $0x100, s21  }
0xed: {  	s19 =	sadd.s32 $0x1, s19  }
0xee: {  	p0 =	sne.s32 s19, s8  }
.Ltmp1:
0xef: {  	_ = 	snop;
	(pc) =	sbr.rel @p0 .LBB2_1-.Ltmp1, $4  }
0xf0: {  	[hbm4b:s7+s3] =	stream.linear.scatter [tilespmem:s18], [sflag:$0x3], $0x2800, $0x38;
	[tilespmem:$0xB000] =	vst v63  }
0xf1: {  	_ =	swait.ge [sflag:s10], $0x2800  }
0xf2: {  	[sflag:s10] =	ssyncset.done $0x0  }
0xf3: {  	[sflag:s10] =	ssyncadd.s32 $0xFFFFD800  }
0xf4: {  	_ =	sfence.sel $0x180000  }
0xf5: {  	[bflag:$0x0] =	sbarrier.arrive $0xFFFF  }
0xf6: {  	p0 =	sne.s32 s1, $0x0;
	_ =	strace $0x9000004A  }
0xf7: {  	s0 =	sadd.s32 @!p0 $0x100000, s0;
	[bflag:$0x2] =	sbarrier.arrive $0xFFFF  }
0xf8: {  	[sflag:s0] =	ssyncadd.tile.s32 @!p0 $0x1;
	_ =	shalt  }
.Lfunc_end2:
_tile_overlayer_lowered:
.L_overlay_start_2:
0xf9: {  	(tag) =	ssettag $0x2  }
0xfa: {  	s0 =	rddreg [dreg:$0x0];
	s2 =	stileid.u32  }
0xfb: {  	s1 =	rddreg [dreg:$0x1];
	p0 =	sne.s32 s2, $0x0  }
0xfc: {  	s3 =	rddreg [dreg:$0x2];
	[bflag:$0x3] =	sbarrier.arrive $0xFFFF;
	s2 =	simm.s32 @!p0 $0x1C03  }
0xfd: {  	[timem:s3], [sflag:s2] =	dma.local @!p0 [hbm:s0], s1  }
0xfe: {  	s0 =	simm.s32 @!p0 $0x3  }
0xff: {  	_ =	swait.ge @!p0 [sflag:s0], s1  }
0x100: {  	s1 =	ssub.s32 @!p0 $0x0, s1;
	[sflag:s0] =	ssyncset.done @!p0 $0x0  }
0x101: {  	[sflag:s0] =	ssyncadd.s32 @!p0 s1  }
0x102: {  	[bflag:$0x3] =	sbarrier.arrive $0xFFFF  }
0x103: {  	_ =	shalt  }

// kernel: sparse-core-data-format-call.cloned.1.call-start
scs
called_computation_lowered:
.L_overlay_start_0:
0x0: {  	s1 =	sld [smem:$0x3FD9]  }
0x1: {  	s2 =	sld [smem:$0x3FFE];
	_ =	sdelay $0x1  }
0x2: {  	s3 =	srdreg.scid  }
0x3: {  	s0 =	sand.u32 $0x1, s3  }
0x4: {  	s17 =	sshll.u32 s0, $0xA;
	s1 =	sadd.s32 s2, s1  }
0x5: {  	s1 =	sadd.s32 s1, s17  }
0x6: {  	[smem:$0x3FC6] =	sst s1  }
0x7: {  	_ = 	snop  }
0x8: {  	(tm) =	ssettm $0x1  }
0x9: {  	s18 =	sld [smem:$0x3FFB];
	_ =	sdelay $0x3  }
0xa: {  	_ =	strace s18  }
0xb: {  	s1 =	sld [smem:$0x3FFC];
	_ =	sdelay $0x3  }
0xc: {  	_ =	strace s1  }
0xd: {  	s1 =	sld [smem:$0x3FFD];
	_ =	sdelay $0x3  }
0xe: {  	_ =	strace s1  }
0xf: {  	_ =	strace $0x8FFFFFFF  }
0x10: {  	s19 =	sld [smem:$0x3FDB];
	_ =	sdelay $0x1  }
0x11: {  	s20 =	simm.s32 $_scs_section_size  }
0x12: {  	s4 =	simm.s32 $_size__tile_overlayer_lowered;
	s5 =	simm.s32 $_tile_overlayer_lowered  }
0x13: {  	s23 =	simm.s32 $0x1BFF;
	s22 =	sshll.u32 s5, $0x1;
	s1 =	sadd.s32 s20, s19  }
0x14: {  	s6 =	simm.s32 $0x0;
	s21 =	sshll.u32 s4, $0x1;
	s4 =	sadd.s32 s22, s1  }
0x15: {  	[timem:s6], [sflag:s23] =	dma.local [hbm:s4], s21  }
0x16: {  	_ =	swait.ge [sflag:s23], s21  }
0x17: {  	s2 =	ssub.s32 $0x0, s21;
	[sflag:s23] =	ssyncset.done $0x0  }
0x18: {  	[sflag:s23] =	ssyncadd.s32 s2;
	_ =	sdelay $0x1  }
0x19: {  	s24 =	simm.s32 $0x1B8B  }
0x1a: {  	_ =	swait.ge [sflag:s24], $0x1  }
0x1b: {  	[sflag:s24] =	ssyncset.done $0x0  }
0x1c: {  	s26 =	simm.s32 $0x1B8E;
	s25 =	sld [smem:$0x3FFE];
	[sflag:s24] =	ssyncadd.s32 $0xFFFFFFFF  }
0x1d: {  	s27 =	simm.s32 $execute0_lowered;
	[smem:$0x3FD2] =	sst s26  }
0x1e: {  	s4 =	sshll.u32 s27, $0x1;
	_ =	strace $0x80000046;
	[dreg:$0x1] =	wrdreg $0xFFFFFFFF  }
0x1f: {  	s28 =	simm.s32 $_size_execute0_lowered;
	s1 =	sadd.s32 s1, s4;
	[dreg:$0x0] =	wrdreg $0x0  }
0x20: {  	s4 =	sshll.u32 s28, $0x1;
	[dreg:$0x2] =	wrdreg s1  }
0x21: {  	[dreg:$0x3] =	wrdreg s4  }
0x22: {  	[dreg:$0x4] =	wrdreg $0xC0  }
0x23: {  	_ =	task [dreg:s6], $0x5FFFF  }
0x24: {  	[dreg:$0x1] =	wrdreg $0xFFFFFFFF  }
0x25: {  	[dreg:$0x0] =	wrdreg $0x60  }
0x26: {  	[dreg:$0x2] =	wrdreg s25  }
0x27: {  	[dreg:$0x3] =	wrdreg $0x9  }
0x28: {  	_ =	task.clear_ibuf [dreg:s6], $0x4FFFF;
	_ =	strace $0x90000046  }
0x29: {  	s29 =	simm.s32 $0x9;
	_ =	strace $0x80000048  }
0x2a: {  	_ =	swait.ge [sflag:s29], $0x1  }
0x2b: {  	[sflag:s29] =	ssyncadd.s32 $0xFFFFFFFF  }
0x2c: {  	_ =	strace $0x90000048  }
0x2d: {  	_ =	sfence  }
0x2e: {  	s30 =	sld [smem:$0x0];
	_ =	sdelay $0x2  }
0x2f: {  	s31 =	sshll.u32 s3, $0xD;
	s3 =	sshrl.u32 s3, $0x2  }
0x30: {  	s2 =	sand.u32 $0x4000, s31;
	s1 =	sadd.s32 s3, s30  }
0x31: {  	s0 =	sor.u32 s2, s0;
	s1 =	sshll.u32 s1, $0x11  }
0x32: {  	s0 =	sor.u32 s1, s0  }
0x33: {  	s0 =	sadd.s32 $0x8F2B, s0  }
0x34: {  	[sflag:s0] =	ssyncadd.remote.s32 $0x1  }
0x35: {  	_ =	sfence.sel $0xFFFF  }
0x36: {  	[dreg:$0x0] =	wrdreg $0xFFFFFFFF;
	(pc) =	sbr.abs _section_cstart, $3  }
0x37: {  	[dreg:$0x1] =	wrdreg $0xFFFFFFFF  }
0x38: {  	_ =	task.clear_ibuf [dreg:s6], $0x2FFFF;
	_ =	strace $0x9FFFFFFF  }
0x39: {  	(tm) =	ssettm $0x7FFFFFFF  }
tec
execute0_lowered:
.L_overlay_start_1:
0x0: {  	(tag) =	ssettag $0x1  }
0x1: {  	s0 =	srdreg.scid  }
0x2: {  	s1 =	sshll.u32 s0, $0x4  }
0x3: {  	s0 =	stileid.u32;
	s1 =	sand.u32 $0x10, s1  }
0x4: {  	s6 =	rddreg [dreg:$0x0];
	s1 =	sor.u32 s0, s1  }
0x5: {  	s4 =	simm.s32 $0x1;
	s7 =	simm.s32 $0x2;
	s2 =	sshll.u32 s1, $0x1  }
0x6: {  	s14 =	simm.s32 $0x0;
	s8 =	simm.s32 $0x400;
	s3 =	ssub.s32 $0x500, s2  }
0x7: {  	s9 =	simm.s32 $0x1400;
	s10 =	simm.s32 $0x0;
	s31 =	sand.u32 $0x3E, s3  }
0x8: {  	s15 =	simm.s32 $0x0;
	s11 =	simm.s32 $0x0;
	p0 =	sne.s32 s31, $0x0  }
.Ltmp0:
0x9: {  	s3 =	sshrl.u32 s3, $0x6;
	s4 =	simm.s32 @!p0 $0x0;
	(pc) =	sbr.rel .LBB1_1-.Ltmp0, $4  }
0xa: {  	s13 =	simm.s32 $0x0;
	s1 =	rddreg [dreg:$0x1];
	s5 =	sadd.s32 s4, s3  }
0xb: {  	_ =	strace $0x80000047;
	s4 =	simm.s32 $0x1;
	s5 =	smul.u32 $0x5, s5  }
0xc: {  	s12 =	smov.u32 s2;
	s3 =	sadd.s32 $0x1200, s6;
	[sflag:s4] =	ssyncpa.u1 $0x0  }
0xd: {  	s6 =	sadd.s32 $0x641200, s6;
	[sflag:s7] =	ssyncpa.u1 $0x0;
	s7 =	sadd.s32 $0x1, s5  }
.LBB1_9:
0xe: {  	s16 =	sadd.s32 $0x8, s11  }
0xf: {  	s14 =	sadd.s32 $0x40, s12;
	s18 =	smov.u32 s12;
	p1 =	sgt.s32 s16, $0x27  }
0x10: {  	s18 =	smov.u32 @p1 s14  }
0x11: {  	s16 =	simm.s32 @p1 $0x0;
	p1 =	sgt.s32 s18, $0x4FF  }
0x12: {  	s18 =	smov.u32 @p1 s2;
	p1 =	sne.s32 s13, s7  }
.Ltmp1:
0x13: {  	p0 =	slt.u32 s13, $0x2;
	(pc) =	sbr.rel @!p1 .LBB1_10-.Ltmp1, $4  }
0x14: {  	s17 =	simm.s32 @!p0 $0x2  }
0x15: {  	s15 =	smov.u32 s12;
	s10 =	sadd.s32 $0x4000, s10;
	_ =	swait.ge @!p0 [sflag:s17], $0x4000  }
0x16: {  	s14 =	smov.u32 s11;
	[sflag:s17] =	ssyncset.done @!p0 $0x0;
	s11 =	smov.u32 s16  }
0x17: {  	s13 =	sadd.s32 $0x1, s13;
	[sflag:s17] =	ssyncadd.s32 @!p0 $0xFFFFC000;
	s12 =	smov.u32 s18  }
.LBB1_1:
0x18: {  	p0 =	sge.u32 s13, s5  }
0x19: {  	s17 =	smul.u32 @!p0 $0x1400, s12  }
0x1a: {  	s31 =	sadd.s32 $0xFFFFFFFF, s13;
	s16 =	sxor.u32 @!p0 $0xFFFFFFFF, s13;
	s18 =	sshll.u32 @!p0 s11, $0x7  }
0x1b: {  	s19 =	simm.s32 @!p0 $0xA000;
	s16 =	sshll.u32 @!p0 s16, $0xE;
	s17 =	sadd.s32 @!p0 s3, s17  }
0x1c: {  	s16 =	sand.u32 @!p0 $0x4000, s16;
	s17 =	sadd.s32 @!p0 s18, s17;
	s18 =	simm.s32 @!p0 $0x2000  }
0x1d: {  	[tilespmem:s16], [sflag:$0x1] =	stream.strided.gather @!p0 [hbm4b:s17+s18], $0x4000, s19, s18, $0x38;
	[tilespmem:$0x10000] =	vst v63  }
0x1e: {  	p0 =	sge.u32 s31, s5  }
.Ltmp2:
0x1f: {  	_ = 	snop;
	(pc) =	sbr.rel @p0 .LBB1_9-.Ltmp2, $1  }
0x20: {  	_ =	sdelay $0x3  }
0x21: {  	s16 =	sshll.u32 s10, $0x2  }
0x22: {  	_ =	swait.ge [sflag:s4], $0x4000;
	s17 =	sshll.u32 s13, $0xE;
	s19 =	simm.s32 $0x0  }
0x23: {  	p1 =	por $0x1, $0x1;
	s16 =	sand.u32 $0x10000, s16;
	[sflag:s4] =	ssyncset.done $0x0  }
0x24: {  	s17 =	sand.u32 $0x4000, s17;
	s18 =	sshrl.u32 s16, $0x2;
	[sflag:s4] =	ssyncadd.s32 $0xFFFFC000  }
0x25: {  	s16 =	sor.u32 $0x8000, s17;
	s17 =	sadd.s32 $0x8040, s18;
	s18 =	sadd.s32 $0x40, s18  }
.LBB1_3:
0x26: {  	s19 =	sshll.u32 s19, $0x2  }
0x27: {  	p0 =	por p1, p1;
	s20 =	sshra.s32 s19, $0x2  }
0x28: {  	s21 =	simm.s32 $0x0;
	s19 =	sadd.s32 s20, s17;
	s20 =	sadd.s32 s20, s18  }
.LBB1_4:
0x29: {  	v0 =	vmov s20;
	_ =	sdelay $0x3  }
0x2a: {  	s23 =	simm.s32 $0x0  }
0x2b: {  	v6 =	vld.idx.msk [tilespmem:v0+s23+$0x30 ss:$0x1], $0xffff  }
0x2c: {  	v7 =	vld.idx.msk [tilespmem:v0+s23+$0xFFFFFFC0 ss:$0x1], $0xffff  }
0x2d: {  	v5 =	vld.idx.msk [tilespmem:v0+s23+$0xFFFFFFD0 ss:$0x1], $0xffff  }
0x2e: {  	v4 =	vld.idx.msk [tilespmem:v0+s23+$0xFFFFFFE0 ss:$0x1], $0xffff  }
0x2f: {  	v3 =	vld.idx.msk [tilespmem:v0+s23+$0xFFFFFFF0 ss:$0x1], $0xffff  }
0x30: {  	v1 =	vld.idx.msk [tilespmem:v0+s23+$0x0 ss:$0x1], $0xffff  }
0x31: {  	v2 =	vld.idx.msk [tilespmem:v0+s23+$0x10 ss:$0x1], $0xffff;
	[tilespmem:s19+$0x30] =	vst v6  }
0x32: {  	s22 =	simm.s32 $0x80;
	s24 =	simm.s32 $0x400;
	[tilespmem:s19+$0xFFFFFFC0] =	vst v7;
	v6 =	vld.idx.msk [tilespmem:v0+s23+$0x20 ss:$0x1], $0xffff;
	s23 =	smov.u32 s19  }
.LBB1_5:
0x33: {  	p1 =	sne.s32 s24, $0xE00;
	v7 =	vld.idx.msk [tilespmem:v0+s22+$0x30 ss:$0x1], $0xffff;
	[tilespmem:s23+$0xFFFFFFD0] =	vst v5  }
0x34: {  	v8 =	vld.idx.msk [tilespmem:v0+s22+$0xFFFFFFC0 ss:$0x1], $0xffff;
	[tilespmem:s23+$0xFFFFFFE0] =	vst v4  }
0x35: {  	v5 =	vld.idx.msk [tilespmem:v0+s22+$0xFFFFFFD0 ss:$0x1], $0xffff;
	[tilespmem:s23+$0xFFFFFFF0] =	vst v3  }
.Ltmp3:
0x36: {  	v4 =	vld.idx.msk [tilespmem:v0+s22+$0xFFFFFFE0 ss:$0x1], $0xffff;
	[tilespmem:s23+$0x0] =	vst v1;
	(pc) =	sbr.rel @p1 .LBB1_5-.Ltmp3, $4  }
0x37: {  	v3 =	vld.idx.msk [tilespmem:v0+s22+$0xFFFFFFF0 ss:$0x1], $0xffff;
	[tilespmem:s23+$0x10] =	vst v2  }
0x38: {  	v1 =	vld.idx.msk [tilespmem:v0+s22+$0x0 ss:$0x1], $0xffff;
	[tilespmem:s23+$0x20] =	vst v6;
	s23 =	sadd.s32 $0x400, s23  }
0x39: {  	v2 =	vld.idx.msk [tilespmem:v0+s22+$0x10 ss:$0x1], $0xffff;
	[tilespmem:s23+$0x30] =	vst v7  }
0x3a: {  	[tilespmem:s23+$0xFFFFFFC0] =	vst v8;
	v6 =	vld.idx.msk [tilespmem:v0+s22+$0x20 ss:$0x1], $0xffff;
	s22 =	sshra.s32 s24, $0x2;
	s24 =	sadd.s32 $0x200, s24  }
0x3b: {  	_ =	sdelay $0x2  }
0x3c: {  	[tilespmem:s23+$0xFFFFFFD0] =	vst v5  }
0x3d: {  	v56 =	vld.idx.msk [tilespmem:v0+s22+$0x30 ss:$0x1], $0xffff;
	[tilespmem:s23+$0xFFFFFFE0] =	vst v4  }
0x3e: {  	v57 =	vld.idx.msk [tilespmem:v0+s22+$0xFFFFFFC0 ss:$0x1], $0xffff;
	[tilespmem:s23+$0xFFFFFFF0] =	vst v3  }
0x3f: {  	v58 =	vld.idx.msk [tilespmem:v0+s22+$0xFFFFFFD0 ss:$0x1], $0xffff;
	[tilespmem:s23+$0x0] =	vst v1  }
0x40: {  	v59 =	vld.idx.msk [tilespmem:v0+s22+$0xFFFFFFE0 ss:$0x1], $0xffff;
	[tilespmem:s23+$0x10] =	vst v2  }
0x41: {  	v60 =	vld.idx.msk [tilespmem:v0+s22+$0xFFFFFFF0 ss:$0x1], $0xffff;
	s31 =	sadd.s32 $0x400, s23;
	[tilespmem:s23+$0x20] =	vst v6  }
0x42: {  	v61 =	vld.idx.msk [tilespmem:v0+s22+$0x0 ss:$0x1], $0xffff;
	[tilespmem:s31+$0x30] =	vst v56  }
0x43: {  	v62 =	vld.idx.msk [tilespmem:v0+s22+$0x10 ss:$0x1], $0xffff;
	s21 =	sadd.s32 $0x1, s21;
	[tilespmem:s31+$0xFFFFFFC0] =	vst v57  }
0x44: {  	v63 =	vld.idx.msk [tilespmem:v0+s22+$0x20 ss:$0x1], $0xffff;
	p1 =	sne.s32 s21, $0x8;
	[tilespmem:s31+$0xFFFFFFD0] =	vst v58  }
.Ltmp4:
0x45: {  	[tilespmem:s31+$0xFFFFFFE0] =	vst v59;
	(pc) =	sbr.rel @p1 .LBB1_4-.Ltmp4, $4  }
0x46: {  	[tilespmem:s31+$0xFFFFFFF0] =	vst v60  }
0x47: {  	[tilespmem:s31+$0x0] =	vst v61  }
0x48: {  	[tilespmem:s31+$0x10] =	vst v62  }
0x49: {  	s19 =	sadd.s32 $0x80, s19;
	s20 =	sadd.s32 $0x400, s20;
	[tilespmem:s31+$0x20] =	vst v63  }
.Ltmp5:
0x4a: {  	(pc) =	sbr.rel @p0 .LBB1_3-.Ltmp5, $2  }
0x4b: {  	_ =	sdelay $0x2  }
0x4c: {  	s19 =	simm.s32 $0x2000;
	p1 =	por $0x0, $0x0  }
0x4d: {  	s14 =	sand.u32 $0x1FFFFFF, s14  }
0x4e: {  	s17 =	smulhi.u32 $0x6666667, s14  }
0x4f: {  	s15 =	smul.u32 $0x1400, s15  }
0x50: {  	s17 =	smul.u32 $0x28, s17  }
.Ltmp6:
0x51: {  	_ = 	snop;
	(pc) =	sbr.rel .LBB1_9-.Ltmp6, $4  }
0x52: {  	s14 =	ssub.s32 s14, s17  }
0x53: {  	s15 =	sadd.s32 s6, s15;
	s14 =	sshll.u32 s14, $0x4  }
0x54: {  	s14 =	sadd.s32 s14, s15  }
0x55: {  	[hbm4b:s14+s8] =	stream.strided.scatter [tilespmem:s16], [sflag:$0x2], $0x4000, s9, s8, $0x38;
	[tilespmem:$0x10000] =	vst v63  }
.LBB1_10:
0x56: {  	_ =	sfence.sel $0x180000  }
0x57: {  	s2 =	simm.s32 $0x1;
	[bflag:$0x0] =	sbarrier.arrive $0xFFFF  }
0x58: {  	s31 =	simm.s32 $0x2;
	[sflag:s2] =	ssyncpa.u1 $0x1  }
0x59: {  	[sflag:s31] =	ssyncpa.u1 $0x1  }
0x5a: {  	p0 =	sne.s32 s0, $0x0;
	_ =	strace $0x90000047  }
0x5b: {  	s0 =	sadd.s32 @!p0 $0x100000, s1;
	[bflag:$0x2] =	sbarrier.arrive $0xFFFF  }
0x5c: {  	[sflag:s0] =	ssyncadd.tile.s32 @!p0 $0x1;
	_ =	shalt  }
.Lfunc_end1:
_tile_overlayer_lowered:
.L_overlay_start_2:
0x5d: {  	(tag) =	ssettag $0x2  }
0x5e: {  	s0 =	rddreg [dreg:$0x0];
	s2 =	stileid.u32  }
0x5f: {  	s1 =	rddreg [dreg:$0x1];
	p0 =	sne.s32 s2, $0x0  }
0x60: {  	s3 =	rddreg [dreg:$0x2];
	[bflag:$0x3] =	sbarrier.arrive $0xFFFF;
	s2 =	simm.s32 @!p0 $0x1C01  }
0x61: {  	[timem:s3], [sflag:s2] =	dma.local @!p0 [hbm:s0], s1  }
0x62: {  	s0 =	simm.s32 @!p0 $0x1  }
0x63: {  	_ =	swait.ge @!p0 [sflag:s0], s1  }
0x64: {  	s1 =	ssub.s32 @!p0 $0x0, s1;
	[sflag:s0] =	ssyncset.done @!p0 $0x0  }
0x65: {  	[sflag:s0] =	ssyncadd.s32 @!p0 s1  }
0x66: {  	[bflag:$0x3] =	sbarrier.arrive $0xFFFF  }
0x67: {  	_ =	shalt  }

</sc_bundles>
